<compile_context>
chip_gen: v7x
topology: tpu7x:2x2x1
jax: 0.10.2.dev20260603
libtpu: 0.0.44.dev20260713+nightly
codegen_flags: <defaults>
</compile_context>

<pallas_src>
import functools

import jax
import jax.numpy as jnp
from jax import lax
from jax.experimental import pallas as pl
from jax.experimental.pallas import tpu as pltpu
from jax.experimental.pallas import tpu_sc as plsc

BATCH = 4096
NUM_RINGS = 200
EMBED_DIM = 128
NC = 2
NS = 16
NW = NC * NS
ROWS_PER_W = BATCH // NW
LANES = 16
DCHUNKS = EMBED_DIM // LANES


def _sc_body(x_hbm, emb_hbm, out_hbm, emb_v, in0, in1, out0, out1,
             si0, si1, so0, so1):
    c = lax.axis_index("c")
    s = lax.axis_index("s")
    wid = s * NC + c
    base = wid * ROWS_PER_W

    pltpu.sync_copy(emb_hbm, emb_v)
    pltpu.async_copy(x_hbm.at[base + 0], in0, si0)
    pltpu.async_copy(x_hbm.at[base + 1], in1, si1)

    def compute(inb, outb):
        def ring_body(i, carry):
            for u in range(2):
                rr = 2 * i + u
                for cc in range(DCHUNKS):
                    sl = pl.ds(cc * LANES, LANES)
                    outb[rr, sl] = inb[rr, sl] + emb_v[rr, sl]
            return carry
        lax.fori_loop(0, NUM_RINGS // 2, ring_body, 0)

    def step(g, carry):
        for j, (inb, outb, si, so) in enumerate(
                ((in0, out0, si0, so0), (in1, out1, si1, so1))):
            r = base + 2 * g + j
            pltpu.make_async_copy(x_hbm.at[r], inb, si).wait()

            @pl.when(g > 0)
            def _wait_prev_out():
                pltpu.make_async_copy(outb, out_hbm.at[r - 2], so).wait()

            compute(inb, outb)

            @pl.when(2 * g + j + 2 < ROWS_PER_W)
            def _start_next_in():
                pltpu.async_copy(x_hbm.at[r + 2], inb, si)

            pltpu.async_copy(outb, out_hbm.at[r], so)
        return carry

    lax.fori_loop(0, ROWS_PER_W // 2, step, 0)
    pltpu.make_async_copy(out0, out_hbm.at[base + ROWS_PER_W - 2], so0).wait()
    pltpu.make_async_copy(out1, out_hbm.at[base + ROWS_PER_W - 1], so1).wait()


_ROWSHAPE = (NUM_RINGS, EMBED_DIM)

_sc_add = functools.partial(
    pl.kernel,
    out_type=jax.ShapeDtypeStruct((BATCH, NUM_RINGS, EMBED_DIM), jnp.float32),
    mesh=plsc.VectorSubcoreMesh(core_axis_name="c", subcore_axis_name="s"),
    scratch_types=[
        pltpu.VMEM(_ROWSHAPE, jnp.float32),
        pltpu.VMEM(_ROWSHAPE, jnp.float32),
        pltpu.VMEM(_ROWSHAPE, jnp.float32),
        pltpu.VMEM(_ROWSHAPE, jnp.float32),
        pltpu.VMEM(_ROWSHAPE, jnp.float32),
        pltpu.SemaphoreType.DMA,
        pltpu.SemaphoreType.DMA,
        pltpu.SemaphoreType.DMA,
        pltpu.SemaphoreType.DMA,
    ],
)(_sc_body)


def kernel(x, embedding):
    return _sc_add(x, embedding)

# --- scband reference (transcript-rebuilt; emitter-appended) ---
"""Pipeline reference for scband-radial-position-embedding-19988777795794 (READ-ONLY COPY).

The authoritative reference and input builder live on the scoring server;
editing this copy changes nothing except your own understanding.
"""

import jax, jax.numpy as jnp
import numpy as np

NUM_RINGS = 200
EMBED_DIM = 128
BATCH = 4096

def setup_inputs(seed: int = 0) -> dict:
    key = jax.random.key(seed)
    k1, k2 = jax.random.split(key)
    x = jax.random.normal(k1, (BATCH, NUM_RINGS, EMBED_DIM), dtype=jnp.float32)
    embedding = jax.random.normal(k2, (NUM_RINGS, EMBED_DIM), dtype=jnp.float32)
    return {"x": x, "embedding": embedding}

def reference(x, embedding):
    B, num_tokens, dim = x.shape
    assert num_tokens == NUM_RINGS
    assert dim == EMBED_DIM
    indices = jnp.broadcast_to(jnp.arange(NUM_RINGS)[None, :], (B, NUM_RINGS))
    pos_embed = jnp.take(embedding, indices, axis=0)
    return x + pos_embed

if __name__ == "__main__":
    import jax
    _d = setup_inputs()
    print(jax.jit(kernel)(*tuple(_d.values())))

</pallas_src>

<mosaic_0001>
#map = affine_map<(d0, d1) -> (0, 0, 0)>
#map1 = affine_map<(d0, d1) -> (0, 0)>
module attributes {stable_mosaic.version = 14 : i64} {
  func.func @_sc_body(%arg0: i32, %arg1: i32, %arg2: memref<4096x200x128xf32, #tpu.memory_space<hbm>>, %arg3: memref<200x128xf32, #tpu.memory_space<hbm>>, %arg4: memref<4096x200x128xf32, #tpu.memory_space<hbm>>, %arg5: memref<200x128xf32, #tpu.memory_space<vmem>>, %arg6: memref<200x128xf32, #tpu.memory_space<vmem>>, %arg7: memref<200x128xf32, #tpu.memory_space<vmem>>, %arg8: memref<200x128xf32, #tpu.memory_space<vmem>>, %arg9: memref<200x128xf32, #tpu.memory_space<vmem>>, %arg10: memref<!tpu.dma_semaphore, #tpu.memory_space<semaphore_mem>>, %arg11: memref<!tpu.dma_semaphore, #tpu.memory_space<semaphore_mem>>, %arg12: memref<!tpu.dma_semaphore, #tpu.memory_space<semaphore_mem>>, %arg13: memref<!tpu.dma_semaphore, #tpu.memory_space<semaphore_mem>>) attributes {dimension_semantics = [#tpu.dimension_semantics<core_parallel>, #tpu.dimension_semantics<subcore_parallel>], iteration_bounds = array<i64: 2, 16>, scalar_prefetch = 0 : i64, scratch_operands = 9 : i64, tpu.core_type = #tpu.core_type<sc_vector_subcore>, window_params = [{transform_indices = #map}, {transform_indices = #map1}, {transform_indices = #map}]} {
    %mul3A = arith.constant 2 : i32
    %mul3A_0 = arith.muli %arg1, %mul3A : i32
    %add3A = arith.addi %mul3A_0, %arg0 : i32
    %mul3A_1 = arith.constant 128 : i32
    %mul3A_2 = arith.muli %add3A, %mul3A_1 : i32
    "tpu.region"() ({
      %run_scoped3A = tpu.sem_alloc : memref<!tpu.dma_semaphore, #tpu.memory_space<semaphore_mem>>
      tpu.enqueue_dma source(%arg3 : memref<200x128xf32, #tpu.memory_space<hbm>>) target(%arg5 : memref<200x128xf32, #tpu.memory_space<vmem>>) target_semaphore(%run_scoped3A : memref<!tpu.dma_semaphore, #tpu.memory_space<semaphore_mem>>)
      tpu.wait_dma2 semaphore(%run_scoped3A : memref<!tpu.dma_semaphore, #tpu.memory_space<semaphore_mem>>) src(%arg3 : memref<200x128xf32, #tpu.memory_space<hbm>>) dst(%arg5 : memref<200x128xf32, #tpu.memory_space<vmem>>)
      tpu.yield
    }) : () -> ()
    %add3A_3 = arith.constant 0 : i32
    %add3A_4 = arith.addi %mul3A_2, %add3A_3 : i32
    %dma_start3A = arith.constant 0 : i32
    %dma_start3A_5 = arith.constant 0 : i32
    %dma_start3A_6 = tpu.memref_slice %arg2[%add3A_4, %dma_start3A, %dma_start3A_5] : memref<4096x200x128xf32, #tpu.memory_space<hbm>> -> memref<1x200x128xf32, #tpu.memory_space<hbm>>
    %dma_start3A_7 = tpu.memref_squeeze %dma_start3A_6 : memref<1x200x128xf32, #tpu.memory_space<hbm>> -> memref<200x128xf32, #tpu.memory_space<hbm>>
    %dma_start3A_8 = arith.constant 0 : i32
    %dma_start3A_9 = arith.constant 0 : i32
    %dma_start3A_10 = tpu.memref_slice %arg2[%add3A_4, %dma_start3A_8, %dma_start3A_9] : memref<4096x200x128xf32, #tpu.memory_space<hbm>> -> memref<1x200x128xf32, #tpu.memory_space<hbm>>
    %dma_start3A_11 = tpu.memref_squeeze %dma_start3A_10 : memref<1x200x128xf32, #tpu.memory_space<hbm>> -> memref<200x128xf32, #tpu.memory_space<hbm>>
    tpu.enqueue_dma source(%dma_start3A_11 : memref<200x128xf32, #tpu.memory_space<hbm>>) target(%arg6 : memref<200x128xf32, #tpu.memory_space<vmem>>) target_semaphore(%arg10 : memref<!tpu.dma_semaphore, #tpu.memory_space<semaphore_mem>>)
    %add3A_12 = arith.constant 1 : i32
    %add3A_13 = arith.addi %mul3A_2, %add3A_12 : i32
    %dma_start3A_14 = arith.constant 0 : i32
    %dma_start3A_15 = arith.constant 0 : i32
    %dma_start3A_16 = tpu.memref_slice %arg2[%add3A_13, %dma_start3A_14, %dma_start3A_15] : memref<4096x200x128xf32, #tpu.memory_space<hbm>> -> memref<1x200x128xf32, #tpu.memory_space<hbm>>
    %dma_start3A_17 = tpu.memref_squeeze %dma_start3A_16 : memref<1x200x128xf32, #tpu.memory_space<hbm>> -> memref<200x128xf32, #tpu.memory_space<hbm>>
    %dma_start3A_18 = arith.constant 0 : i32
    %dma_start3A_19 = arith.constant 0 : i32
    %dma_start3A_20 = tpu.memref_slice %arg2[%add3A_13, %dma_start3A_18, %dma_start3A_19] : memref<4096x200x128xf32, #tpu.memory_space<hbm>> -> memref<1x200x128xf32, #tpu.memory_space<hbm>>
    %dma_start3A_21 = tpu.memref_squeeze %dma_start3A_20 : memref<1x200x128xf32, #tpu.memory_space<hbm>> -> memref<200x128xf32, #tpu.memory_space<hbm>>
    tpu.enqueue_dma source(%dma_start3A_21 : memref<200x128xf32, #tpu.memory_space<hbm>>) target(%arg7 : memref<200x128xf32, #tpu.memory_space<vmem>>) target_semaphore(%arg11 : memref<!tpu.dma_semaphore, #tpu.memory_space<semaphore_mem>>)
    %scan3A = arith.constant 0 : i32
    %scan3A_22 = arith.constant 0 : i32
    %scan3A_23 = arith.constant 64 : i32
    %scan3A_24 = arith.addi %scan3A_22, %scan3A_23 : i32
    %scan3A_25 = arith.constant 1 : i32
    scf.for %scan3A_49 = %scan3A_22 to %scan3A_24 step %scan3A_25  : i32 {
      %mul3A_50 = arith.constant 2 : i32
      %mul3A_51 = arith.muli %mul3A_50, %scan3A_49 : i32
      %add3A_52 = arith.addi %mul3A_2, %mul3A_51 : i32
      %add3A_53 = arith.constant 0 : i32
      %add3A_54 = arith.addi %add3A_52, %add3A_53 : i32
      %dma_wait3A_55 = arith.constant 0 : i32
      %dma_wait3A_56 = arith.constant 0 : i32
      %dma_wait3A_57 = tpu.memref_slice %arg2[%add3A_54, %dma_wait3A_55, %dma_wait3A_56] : memref<4096x200x128xf32, #tpu.memory_space<hbm>> -> memref<1x200x128xf32, #tpu.memory_space<hbm>>
      %dma_wait3A_58 = tpu.memref_squeeze %dma_wait3A_57 : memref<1x200x128xf32, #tpu.memory_space<hbm>> -> memref<200x128xf32, #tpu.memory_space<hbm>>
      %dma_wait3A_59 = arith.constant 0 : i32
      %dma_wait3A_60 = arith.constant 0 : i32
      %dma_wait3A_61 = tpu.memref_slice %arg2[%add3A_54, %dma_wait3A_59, %dma_wait3A_60] : memref<4096x200x128xf32, #tpu.memory_space<hbm>> -> memref<1x200x128xf32, #tpu.memory_space<hbm>>
      %dma_wait3A_62 = tpu.memref_squeeze %dma_wait3A_61 : memref<1x200x128xf32, #tpu.memory_space<hbm>> -> memref<200x128xf32, #tpu.memory_space<hbm>>
      tpu.wait_dma2 semaphore(%arg10 : memref<!tpu.dma_semaphore, #tpu.memory_space<semaphore_mem>>) src(%dma_wait3A_62 : memref<200x128xf32, #tpu.memory_space<hbm>>) dst(%arg6 : memref<200x128xf32, #tpu.memory_space<vmem>>)
      %gt3A = arith.constant 0 : i32
      %gt3A_63 = arith.cmpi sgt, %scan3A_49, %gt3A : i32
      %convert_element_type3A = arith.extui %gt3A_63 : i1 to i32
      %cond3A = arith.constant 0 : i32
      %cond3A_64 = arith.cmpi ne, %convert_element_type3A, %cond3A : i32
      scf.if %cond3A_64 {
        %sub3A_132 = arith.constant 2 : i32
        %sub3A_133 = arith.subi %add3A_54, %sub3A_132 : i32
        %dma_wait3A_134 = arith.constant 0 : i32
        %dma_wait3A_135 = arith.constant 0 : i32
        %dma_wait3A_136 = tpu.memref_slice %arg4[%sub3A_133, %dma_wait3A_134, %dma_wait3A_135] : memref<4096x200x128xf32, #tpu.memory_space<hbm>> -> memref<1x200x128xf32, #tpu.memory_space<hbm>>
        %dma_wait3A_137 = tpu.memref_squeeze %dma_wait3A_136 : memref<1x200x128xf32, #tpu.memory_space<hbm>> -> memref<200x128xf32, #tpu.memory_space<hbm>>
        %dma_wait3A_138 = arith.constant 0 : i32
        %dma_wait3A_139 = arith.constant 0 : i32
        %dma_wait3A_140 = tpu.memref_slice %arg4[%sub3A_133, %dma_wait3A_138, %dma_wait3A_139] : memref<4096x200x128xf32, #tpu.memory_space<hbm>> -> memref<1x200x128xf32, #tpu.memory_space<hbm>>
        %dma_wait3A_141 = tpu.memref_squeeze %dma_wait3A_140 : memref<1x200x128xf32, #tpu.memory_space<hbm>> -> memref<200x128xf32, #tpu.memory_space<hbm>>
        tpu.wait_dma2 semaphore(%arg12 : memref<!tpu.dma_semaphore, #tpu.memory_space<semaphore_mem>>) src(%arg8 : memref<200x128xf32, #tpu.memory_space<vmem>>) dst(%dma_wait3A_141 : memref<200x128xf32, #tpu.memory_space<hbm>>)
      } else {
      }
      %scan3A_65 = arith.constant 0 : i32
      %scan3A_66 = arith.constant 0 : i32
      %scan3A_67 = arith.constant 100 : i32
      %scan3A_68 = arith.addi %scan3A_66, %scan3A_67 : i32
      %scan3A_69 = arith.constant 1 : i32
      scf.for %scan3A_132 = %scan3A_66 to %scan3A_68 step %scan3A_69  : i32 {
        %mul3A_133 = arith.constant 2 : i32
        %mul3A_134 = arith.muli %mul3A_133, %scan3A_132 : i32
        %add3A_135 = arith.constant 0 : i32
        %add3A_136 = arith.addi %mul3A_134, %add3A_135 : i32
        %get3A = arith.index_cast %add3A_136 : i32 to index
        %get3A_137 = arith.constant 0 : index
        %get3A_138 = tpu.vector_load %arg6[%get3A, %get3A_137] {strides = array<i32>} : memref<200x128xf32, #tpu.memory_space<vmem>>, vector<1x16xf32>,
        %get3A_139 = vector.shape_cast %get3A_138 : vector<1x16xf32> to vector<16xf32>
        %get3A_140 = arith.index_cast %add3A_136 : i32 to index
        %get3A_141 = arith.constant 0 : index
        %get3A_142 = tpu.vector_load %arg5[%get3A_140, %get3A_141] {strides = array<i32>} : memref<200x128xf32, #tpu.memory_space<vmem>>, vector<1x16xf32>,
        %get3A_143 = vector.shape_cast %get3A_142 : vector<1x16xf32> to vector<16xf32>
        %add3A_144 = arith.addf %get3A_139, %get3A_143 : vector<16xf32>
        %swap3A = arith.index_cast %add3A_136 : i32 to index
        %swap3A_145 = arith.constant 0 : index
        %swap3A_146 = tpu.vector_load %arg8[%swap3A, %swap3A_145] {strides = array<i32>} : memref<200x128xf32, #tpu.memory_space<vmem>>, vector<1x16xf32>,
        %swap3A_147 = vector.shape_cast %swap3A_146 : vector<1x16xf32> to vector<16xf32>
        %swap3A_148 = vector.shape_cast %add3A_144 : vector<16xf32> to vector<1x16xf32>
        tpu.vector_store %arg8[%swap3A, %swap3A_145], %swap3A_148 {strides = array<i32>} : memref<200x128xf32, #tpu.memory_space<vmem>>, vector<1x16xf32>,
        %get3A_149 = arith.index_cast %add3A_136 : i32 to index
        %get3A_150 = arith.constant 16 : index
        %get3A_151 = tpu.vector_load %arg6[%get3A_149, %get3A_150] {strides = array<i32>} : memref<200x128xf32, #tpu.memory_space<vmem>>, vector<1x16xf32>,
        %get3A_152 = vector.shape_cast %get3A_151 : vector<1x16xf32> to vector<16xf32>
        %get3A_153 = arith.index_cast %add3A_136 : i32 to index
        %get3A_154 = arith.constant 16 : index
        %get3A_155 = tpu.vector_load %arg5[%get3A_153, %get3A_154] {strides = array<i32>} : memref<200x128xf32, #tpu.memory_space<vmem>>, vector<1x16xf32>,
        %get3A_156 = vector.shape_cast %get3A_155 : vector<1x16xf32> to vector<16xf32>
        %add3A_157 = arith.addf %get3A_152, %get3A_156 : vector<16xf32>
        %swap3A_158 = arith.index_cast %add3A_136 : i32 to index
        %swap3A_159 = arith.constant 16 : index
        %swap3A_160 = tpu.vector_load %arg8[%swap3A_158, %swap3A_159] {strides = array<i32>} : memref<200x128xf32, #tpu.memory_space<vmem>>, vector<1x16xf32>,
        %swap3A_161 = vector.shape_cast %swap3A_160 : vector<1x16xf32> to vector<16xf32>
        %swap3A_162 = vector.shape_cast %add3A_157 : vector<16xf32> to vector<1x16xf32>
        tpu.vector_store %arg8[%swap3A_158, %swap3A_159], %swap3A_162 {strides = array<i32>} : memref<200x128xf32, #tpu.memory_space<vmem>>, vector<1x16xf32>,
        %get3A_163 = arith.index_cast %add3A_136 : i32 to index
        %get3A_164 = arith.constant 32 : index
        %get3A_165 = tpu.vector_load %arg6[%get3A_163, %get3A_164] {strides = array<i32>} : memref<200x128xf32, #tpu.memory_space<vmem>>, vector<1x16xf32>,
        %get3A_166 = vector.shape_cast %get3A_165 : vector<1x16xf32> to vector<16xf32>
        %get3A_167 = arith.index_cast %add3A_136 : i32 to index
        %get3A_168 = arith.constant 32 : index
        %get3A_169 = tpu.vector_load %arg5[%get3A_167, %get3A_168] {strides = array<i32>} : memref<200x128xf32, #tpu.memory_space<vmem>>, vector<1x16xf32>,
        %get3A_170 = vector.shape_cast %get3A_169 : vector<1x16xf32> to vector<16xf32>
        %add3A_171 = arith.addf %get3A_166, %get3A_170 : vector<16xf32>
        %swap3A_172 = arith.index_cast %add3A_136 : i32 to index
        %swap3A_173 = arith.constant 32 : index
        %swap3A_174 = tpu.vector_load %arg8[%swap3A_172, %swap3A_173] {strides = array<i32>} : memref<200x128xf32, #tpu.memory_space<vmem>>, vector<1x16xf32>,
        %swap3A_175 = vector.shape_cast %swap3A_174 : vector<1x16xf32> to vector<16xf32>
        %swap3A_176 = vector.shape_cast %add3A_171 : vector<16xf32> to vector<1x16xf32>
        tpu.vector_store %arg8[%swap3A_172, %swap3A_173], %swap3A_176 {strides = array<i32>} : memref<200x128xf32, #tpu.memory_space<vmem>>, vector<1x16xf32>,
        %get3A_177 = arith.index_cast %add3A_136 : i32 to index
        %get3A_178 = arith.constant 48 : index
        %get3A_179 = tpu.vector_load %arg6[%get3A_177, %get3A_178] {strides = array<i32>} : memref<200x128xf32, #tpu.memory_space<vmem>>, vector<1x16xf32>,
        %get3A_180 = vector.shape_cast %get3A_179 : vector<1x16xf32> to vector<16xf32>
        %get3A_181 = arith.index_cast %add3A_136 : i32 to index
        %get3A_182 = arith.constant 48 : index
        %get3A_183 = tpu.vector_load %arg5[%get3A_181, %get3A_182] {strides = array<i32>} : memref<200x128xf32, #tpu.memory_space<vmem>>, vector<1x16xf32>,
        %get3A_184 = vector.shape_cast %get3A_183 : vector<1x16xf32> to vector<16xf32>
        %add3A_185 = arith.addf %get3A_180, %get3A_184 : vector<16xf32>
        %swap3A_186 = arith.index_cast %add3A_136 : i32 to index
        %swap3A_187 = arith.constant 48 : index
        %swap3A_188 = tpu.vector_load %arg8[%swap3A_186, %swap3A_187] {strides = array<i32>} : memref<200x128xf32, #tpu.memory_space<vmem>>, vector<1x16xf32>,
        %swap3A_189 = vector.shape_cast %swap3A_188 : vector<1x16xf32> to vector<16xf32>
        %swap3A_190 = vector.shape_cast %add3A_185 : vector<16xf32> to vector<1x16xf32>
        tpu.vector_store %arg8[%swap3A_186, %swap3A_187], %swap3A_190 {strides = array<i32>} : memref<200x128xf32, #tpu.memory_space<vmem>>, vector<1x16xf32>,
        %get3A_191 = arith.index_cast %add3A_136 : i32 to index
        %get3A_192 = arith.constant 64 : index
        %get3A_193 = tpu.vector_load %arg6[%get3A_191, %get3A_192] {strides = array<i32>} : memref<200x128xf32, #tpu.memory_space<vmem>>, vector<1x16xf32>,
        %get3A_194 = vector.shape_cast %get3A_193 : vector<1x16xf32> to vector<16xf32>
        %get3A_195 = arith.index_cast %add3A_136 : i32 to index
        %get3A_196 = arith.constant 64 : index
        %get3A_197 = tpu.vector_load %arg5[%get3A_195, %get3A_196] {strides = array<i32>} : memref<200x128xf32, #tpu.memory_space<vmem>>, vector<1x16xf32>,
        %get3A_198 = vector.shape_cast %get3A_197 : vector<1x16xf32> to vector<16xf32>
        %add3A_199 = arith.addf %get3A_194, %get3A_198 : vector<16xf32>
        %swap3A_200 = arith.index_cast %add3A_136 : i32 to index
        %swap3A_201 = arith.constant 64 : index
        %swap3A_202 = tpu.vector_load %arg8[%swap3A_200, %swap3A_201] {strides = array<i32>} : memref<200x128xf32, #tpu.memory_space<vmem>>, vector<1x16xf32>,
        %swap3A_203 = vector.shape_cast %swap3A_202 : vector<1x16xf32> to vector<16xf32>
        %swap3A_204 = vector.shape_cast %add3A_199 : vector<16xf32> to vector<1x16xf32>
        tpu.vector_store %arg8[%swap3A_200, %swap3A_201], %swap3A_204 {strides = array<i32>} : memref<200x128xf32, #tpu.memory_space<vmem>>, vector<1x16xf32>,
        %get3A_205 = arith.index_cast %add3A_136 : i32 to index
        %get3A_206 = arith.constant 80 : index
        %get3A_207 = tpu.vector_load %arg6[%get3A_205, %get3A_206] {strides = array<i32>} : memref<200x128xf32, #tpu.memory_space<vmem>>, vector<1x16xf32>,
        %get3A_208 = vector.shape_cast %get3A_207 : vector<1x16xf32> to vector<16xf32>
        %get3A_209 = arith.index_cast %add3A_136 : i32 to index
        %get3A_210 = arith.constant 80 : index
        %get3A_211 = tpu.vector_load %arg5[%get3A_209, %get3A_210] {strides = array<i32>} : memref<200x128xf32, #tpu.memory_space<vmem>>, vector<1x16xf32>,
        %get3A_212 = vector.shape_cast %get3A_211 : vector<1x16xf32> to vector<16xf32>
        %add3A_213 = arith.addf %get3A_208, %get3A_212 : vector<16xf32>
        %swap3A_214 = arith.index_cast %add3A_136 : i32 to index
        %swap3A_215 = arith.constant 80 : index
        %swap3A_216 = tpu.vector_load %arg8[%swap3A_214, %swap3A_215] {strides = array<i32>} : memref<200x128xf32, #tpu.memory_space<vmem>>, vector<1x16xf32>,
        %swap3A_217 = vector.shape_cast %swap3A_216 : vector<1x16xf32> to vector<16xf32>
        %swap3A_218 = vector.shape_cast %add3A_213 : vector<16xf32> to vector<1x16xf32>
        tpu.vector_store %arg8[%swap3A_214, %swap3A_215], %swap3A_218 {strides = array<i32>} : memref<200x128xf32, #tpu.memory_space<vmem>>, vector<1x16xf32>,
        %get3A_219 = arith.index_cast %add3A_136 : i32 to index
        %get3A_220 = arith.constant 96 : index
        %get3A_221 = tpu.vector_load %arg6[%get3A_219, %get3A_220] {strides = array<i32>} : memref<200x128xf32, #tpu.memory_space<vmem>>, vector<1x16xf32>,
        %get3A_222 = vector.shape_cast %get3A_221 : vector<1x16xf32> to vector<16xf32>
        %get3A_223 = arith.index_cast %add3A_136 : i32 to index
        %get3A_224 = arith.constant 96 : index
        %get3A_225 = tpu.vector_load %arg5[%get3A_223, %get3A_224] {strides = array<i32>} : memref<200x128xf32, #tpu.memory_space<vmem>>, vector<1x16xf32>,
        %get3A_226 = vector.shape_cast %get3A_225 : vector<1x16xf32> to vector<16xf32>
        %add3A_227 = arith.addf %get3A_222, %get3A_226 : vector<16xf32>
        %swap3A_228 = arith.index_cast %add3A_136 : i32 to index
        %swap3A_229 = arith.constant 96 : index
        %swap3A_230 = tpu.vector_load %arg8[%swap3A_228, %swap3A_229] {strides = array<i32>} : memref<200x128xf32, #tpu.memory_space<vmem>>, vector<1x16xf32>,
        %swap3A_231 = vector.shape_cast %swap3A_230 : vector<1x16xf32> to vector<16xf32>
        %swap3A_232 = vector.shape_cast %add3A_227 : vector<16xf32> to vector<1x16xf32>
        tpu.vector_store %arg8[%swap3A_228, %swap3A_229], %swap3A_232 {strides = array<i32>} : memref<200x128xf32, #tpu.memory_space<vmem>>, vector<1x16xf32>,
        %get3A_233 = arith.index_cast %add3A_136 : i32 to index
        %get3A_234 = arith.constant 112 : index
        %get3A_235 = tpu.vector_load %arg6[%get3A_233, %get3A_234] {strides = array<i32>} : memref<200x128xf32, #tpu.memory_space<vmem>>, vector<1x16xf32>,
        %get3A_236 = vector.shape_cast %get3A_235 : vector<1x16xf32> to vector<16xf32>
        %get3A_237 = arith.index_cast %add3A_136 : i32 to index
        %get3A_238 = arith.constant 112 : index
        %get3A_239 = tpu.vector_load %arg5[%get3A_237, %get3A_238] {strides = array<i32>} : memref<200x128xf32, #tpu.memory_space<vmem>>, vector<1x16xf32>,
        %get3A_240 = vector.shape_cast %get3A_239 : vector<1x16xf32> to vector<16xf32>
        %add3A_241 = arith.addf %get3A_236, %get3A_240 : vector<16xf32>
        %swap3A_242 = arith.index_cast %add3A_136 : i32 to index
        %swap3A_243 = arith.constant 112 : index
        %swap3A_244 = tpu.vector_load %arg8[%swap3A_242, %swap3A_243] {strides = array<i32>} : memref<200x128xf32, #tpu.memory_space<vmem>>, vector<1x16xf32>,
        %swap3A_245 = vector.shape_cast %swap3A_244 : vector<1x16xf32> to vector<16xf32>
        %swap3A_246 = vector.shape_cast %add3A_241 : vector<16xf32> to vector<1x16xf32>
        tpu.vector_store %arg8[%swap3A_242, %swap3A_243], %swap3A_246 {strides = array<i32>} : memref<200x128xf32, #tpu.memory_space<vmem>>, vector<1x16xf32>,
        %mul3A_247 = arith.constant 2 : i32
        %mul3A_248 = arith.muli %mul3A_247, %scan3A_132 : i32
        %add3A_249 = arith.constant 1 : i32
        %add3A_250 = arith.addi %mul3A_248, %add3A_249 : i32
        %get3A_251 = arith.index_cast %add3A_250 : i32 to index
        %get3A_252 = arith.constant 0 : index
        %get3A_253 = tpu.vector_load %arg6[%get3A_251, %get3A_252] {strides = array<i32>} : memref<200x128xf32, #tpu.memory_space<vmem>>, vector<1x16xf32>,
        %get3A_254 = vector.shape_cast %get3A_253 : vector<1x16xf32> to vector<16xf32>
        %get3A_255 = arith.index_cast %add3A_250 : i32 to index
        %get3A_256 = arith.constant 0 : index
        %get3A_257 = tpu.vector_load %arg5[%get3A_255, %get3A_256] {strides = array<i32>} : memref<200x128xf32, #tpu.memory_space<vmem>>, vector<1x16xf32>,
        %get3A_258 = vector.shape_cast %get3A_257 : vector<1x16xf32> to vector<16xf32>
        %add3A_259 = arith.addf %get3A_254, %get3A_258 : vector<16xf32>
        %swap3A_260 = arith.index_cast %add3A_250 : i32 to index
        %swap3A_261 = arith.constant 0 : index
        %swap3A_262 = tpu.vector_load %arg8[%swap3A_260, %swap3A_261] {strides = array<i32>} : memref<200x128xf32, #tpu.memory_space<vmem>>, vector<1x16xf32>,
        %swap3A_263 = vector.shape_cast %swap3A_262 : vector<1x16xf32> to vector<16xf32>
        %swap3A_264 = vector.shape_cast %add3A_259 : vector<16xf32> to vector<1x16xf32>
        tpu.vector_store %arg8[%swap3A_260, %swap3A_261], %swap3A_264 {strides = array<i32>} : memref<200x128xf32, #tpu.memory_space<vmem>>, vector<1x16xf32>,
        %get3A_265 = arith.index_cast %add3A_250 : i32 to index
        %get3A_266 = arith.constant 16 : index
        %get3A_267 = tpu.vector_load %arg6[%get3A_265, %get3A_266] {strides = array<i32>} : memref<200x128xf32, #tpu.memory_space<vmem>>, vector<1x16xf32>,
        %get3A_268 = vector.shape_cast %get3A_267 : vector<1x16xf32> to vector<16xf32>
        %get3A_269 = arith.index_cast %add3A_250 : i32 to index
        %get3A_270 = arith.constant 16 : index
        %get3A_271 = tpu.vector_load %arg5[%get3A_269, %get3A_270] {strides = array<i32>} : memref<200x128xf32, #tpu.memory_space<vmem>>, vector<1x16xf32>,
        %get3A_272 = vector.shape_cast %get3A_271 : vector<1x16xf32> to vector<16xf32>
        %add3A_273 = arith.addf %get3A_268, %get3A_272 : vector<16xf32>
        %swap3A_274 = arith.index_cast %add3A_250 : i32 to index
        %swap3A_275 = arith.constant 16 : index
        %swap3A_276 = tpu.vector_load %arg8[%swap3A_274, %swap3A_275] {strides = array<i32>} : memref<200x128xf32, #tpu.memory_space<vmem>>, vector<1x16xf32>,
        %swap3A_277 = vector.shape_cast %swap3A_276 : vector<1x16xf32> to vector<16xf32>
        %swap3A_278 = vector.shape_cast %add3A_273 : vector<16xf32> to vector<1x16xf32>
        tpu.vector_store %arg8[%swap3A_274, %swap3A_275], %swap3A_278 {strides = array<i32>} : memref<200x128xf32, #tpu.memory_space<vmem>>, vector<1x16xf32>,
        %get3A_279 = arith.index_cast %add3A_250 : i32 to index
        %get3A_280 = arith.constant 32 : index
        %get3A_281 = tpu.vector_load %arg6[%get3A_279, %get3A_280] {strides = array<i32>} : memref<200x128xf32, #tpu.memory_space<vmem>>, vector<1x16xf32>,
        %get3A_282 = vector.shape_cast %get3A_281 : vector<1x16xf32> to vector<16xf32>
        %get3A_283 = arith.index_cast %add3A_250 : i32 to index
        %get3A_284 = arith.constant 32 : index
        %get3A_285 = tpu.vector_load %arg5[%get3A_283, %get3A_284] {strides = array<i32>} : memref<200x128xf32, #tpu.memory_space<vmem>>, vector<1x16xf32>,
        %get3A_286 = vector.shape_cast %get3A_285 : vector<1x16xf32> to vector<16xf32>
        %add3A_287 = arith.addf %get3A_282, %get3A_286 : vector<16xf32>
        %swap3A_288 = arith.index_cast %add3A_250 : i32 to index
        %swap3A_289 = arith.constant 32 : index
        %swap3A_290 = tpu.vector_load %arg8[%swap3A_288, %swap3A_289] {strides = array<i32>} : memref<200x128xf32, #tpu.memory_space<vmem>>, vector<1x16xf32>,
        %swap3A_291 = vector.shape_cast %swap3A_290 : vector<1x16xf32> to vector<16xf32>
        %swap3A_292 = vector.shape_cast %add3A_287 : vector<16xf32> to vector<1x16xf32>
        tpu.vector_store %arg8[%swap3A_288, %swap3A_289], %swap3A_292 {strides = array<i32>} : memref<200x128xf32, #tpu.memory_space<vmem>>, vector<1x16xf32>,
        %get3A_293 = arith.index_cast %add3A_250 : i32 to index
        %get3A_294 = arith.constant 48 : index
        %get3A_295 = tpu.vector_load %arg6[%get3A_293, %get3A_294] {strides = array<i32>} : memref<200x128xf32, #tpu.memory_space<vmem>>, vector<1x16xf32>,
        %get3A_296 = vector.shape_cast %get3A_295 : vector<1x16xf32> to vector<16xf32>
        %get3A_297 = arith.index_cast %add3A_250 : i32 to index
        %get3A_298 = arith.constant 48 : index
        %get3A_299 = tpu.vector_load %arg5[%get3A_297, %get3A_298] {strides = array<i32>} : memref<200x128xf32, #tpu.memory_space<vmem>>, vector<1x16xf32>,
        %get3A_300 = vector.shape_cast %get3A_299 : vector<1x16xf32> to vector<16xf32>
        %add3A_301 = arith.addf %get3A_296, %get3A_300 : vector<16xf32>
        %swap3A_302 = arith.index_cast %add3A_250 : i32 to index
        %swap3A_303 = arith.constant 48 : index
        %swap3A_304 = tpu.vector_load %arg8[%swap3A_302, %swap3A_303] {strides = array<i32>} : memref<200x128xf32, #tpu.memory_space<vmem>>, vector<1x16xf32>,
        %swap3A_305 = vector.shape_cast %swap3A_304 : vector<1x16xf32> to vector<16xf32>
        %swap3A_306 = vector.shape_cast %add3A_301 : vector<16xf32> to vector<1x16xf32>
        tpu.vector_store %arg8[%swap3A_302, %swap3A_303], %swap3A_306 {strides = array<i32>} : memref<200x128xf32, #tpu.memory_space<vmem>>, vector<1x16xf32>,
        %get3A_307 = arith.index_cast %add3A_250 : i32 to index
        %get3A_308 = arith.constant 64 : index
        %get3A_309 = tpu.vector_load %arg6[%get3A_307, %get3A_308] {strides = array<i32>} : memref<200x128xf32, #tpu.memory_space<vmem>>, vector<1x16xf32>,
        %get3A_310 = vector.shape_cast %get3A_309 : vector<1x16xf32> to vector<16xf32>
        %get3A_311 = arith.index_cast %add3A_250 : i32 to index
        %get3A_312 = arith.constant 64 : index
        %get3A_313 = tpu.vector_load %arg5[%get3A_311, %get3A_312] {strides = array<i32>} : memref<200x128xf32, #tpu.memory_space<vmem>>, vector<1x16xf32>,
        %get3A_314 = vector.shape_cast %get3A_313 : vector<1x16xf32> to vector<16xf32>
        %add3A_315 = arith.addf %get3A_310, %get3A_314 : vector<16xf32>
        %swap3A_316 = arith.index_cast %add3A_250 : i32 to index
        %swap3A_317 = arith.constant 64 : index
        %swap3A_318 = tpu.vector_load %arg8[%swap3A_316, %swap3A_317] {strides = array<i32>} : memref<200x128xf32, #tpu.memory_space<vmem>>, vector<1x16xf32>,
        %swap3A_319 = vector.shape_cast %swap3A_318 : vector<1x16xf32> to vector<16xf32>
        %swap3A_320 = vector.shape_cast %add3A_315 : vector<16xf32> to vector<1x16xf32>
        tpu.vector_store %arg8[%swap3A_316, %swap3A_317], %swap3A_320 {strides = array<i32>} : memref<200x128xf32, #tpu.memory_space<vmem>>, vector<1x16xf32>,
        %get3A_321 = arith.index_cast %add3A_250 : i32 to index
        %get3A_322 = arith.constant 80 : index
        %get3A_323 = tpu.vector_load %arg6[%get3A_321, %get3A_322] {strides = array<i32>} : memref<200x128xf32, #tpu.memory_space<vmem>>, vector<1x16xf32>,
        %get3A_324 = vector.shape_cast %get3A_323 : vector<1x16xf32> to vector<16xf32>
        %get3A_325 = arith.index_cast %add3A_250 : i32 to index
        %get3A_326 = arith.constant 80 : index
        %get3A_327 = tpu.vector_load %arg5[%get3A_325, %get3A_326] {strides = array<i32>} : memref<200x128xf32, #tpu.memory_space<vmem>>, vector<1x16xf32>,
        %get3A_328 = vector.shape_cast %get3A_327 : vector<1x16xf32> to vector<16xf32>
        %add3A_329 = arith.addf %get3A_324, %get3A_328 : vector<16xf32>
        %swap3A_330 = arith.index_cast %add3A_250 : i32 to index
        %swap3A_331 = arith.constant 80 : index
        %swap3A_332 = tpu.vector_load %arg8[%swap3A_330, %swap3A_331] {strides = array<i32>} : memref<200x128xf32, #tpu.memory_space<vmem>>, vector<1x16xf32>,
        %swap3A_333 = vector.shape_cast %swap3A_332 : vector<1x16xf32> to vector<16xf32>
        %swap3A_334 = vector.shape_cast %add3A_329 : vector<16xf32> to vector<1x16xf32>
        tpu.vector_store %arg8[%swap3A_330, %swap3A_331], %swap3A_334 {strides = array<i32>} : memref<200x128xf32, #tpu.memory_space<vmem>>, vector<1x16xf32>,
        %get3A_335 = arith.index_cast %add3A_250 : i32 to index
        %get3A_336 = arith.constant 96 : index
        %get3A_337 = tpu.vector_load %arg6[%get3A_335, %get3A_336] {strides = array<i32>} : memref<200x128xf32, #tpu.memory_space<vmem>>, vector<1x16xf32>,
        %get3A_338 = vector.shape_cast %get3A_337 : vector<1x16xf32> to vector<16xf32>
        %get3A_339 = arith.index_cast %add3A_250 : i32 to index
        %get3A_340 = arith.constant 96 : index
        %get3A_341 = tpu.vector_load %arg5[%get3A_339, %get3A_340] {strides = array<i32>} : memref<200x128xf32, #tpu.memory_space<vmem>>, vector<1x16xf32>,
        %get3A_342 = vector.shape_cast %get3A_341 : vector<1x16xf32> to vector<16xf32>
        %add3A_343 = arith.addf %get3A_338, %get3A_342 : vector<16xf32>
        %swap3A_344 = arith.index_cast %add3A_250 : i32 to index
        %swap3A_345 = arith.constant 96 : index
        %swap3A_346 = tpu.vector_load %arg8[%swap3A_344, %swap3A_345] {strides = array<i32>} : memref<200x128xf32, #tpu.memory_space<vmem>>, vector<1x16xf32>,
        %swap3A_347 = vector.shape_cast %swap3A_346 : vector<1x16xf32> to vector<16xf32>
        %swap3A_348 = vector.shape_cast %add3A_343 : vector<16xf32> to vector<1x16xf32>
        tpu.vector_store %arg8[%swap3A_344, %swap3A_345], %swap3A_348 {strides = array<i32>} : memref<200x128xf32, #tpu.memory_space<vmem>>, vector<1x16xf32>,
        %get3A_349 = arith.index_cast %add3A_250 : i32 to index
        %get3A_350 = arith.constant 112 : index
        %get3A_351 = tpu.vector_load %arg6[%get3A_349, %get3A_350] {strides = array<i32>} : memref<200x128xf32, #tpu.memory_space<vmem>>, vector<1x16xf32>,
        %get3A_352 = vector.shape_cast %get3A_351 : vector<1x16xf32> to vector<16xf32>
        %get3A_353 = arith.index_cast %add3A_250 : i32 to index
        %get3A_354 = arith.constant 112 : index
        %get3A_355 = tpu.vector_load %arg5[%get3A_353, %get3A_354] {strides = array<i32>} : memref<200x128xf32, #tpu.memory_space<vmem>>, vector<1x16xf32>,
        %get3A_356 = vector.shape_cast %get3A_355 : vector<1x16xf32> to vector<16xf32>
        %add3A_357 = arith.addf %get3A_352, %get3A_356 : vector<16xf32>
        %swap3A_358 = arith.index_cast %add3A_250 : i32 to index
        %swap3A_359 = arith.constant 112 : index
        %swap3A_360 = tpu.vector_load %arg8[%swap3A_358, %swap3A_359] {strides = array<i32>} : memref<200x128xf32, #tpu.memory_space<vmem>>, vector<1x16xf32>,
        %swap3A_361 = vector.shape_cast %swap3A_360 : vector<1x16xf32> to vector<16xf32>
        %swap3A_362 = vector.shape_cast %add3A_357 : vector<16xf32> to vector<1x16xf32>
        tpu.vector_store %arg8[%swap3A_358, %swap3A_359], %swap3A_362 {strides = array<i32>} : memref<200x128xf32, #tpu.memory_space<vmem>>, vector<1x16xf32>,
      }
      %scan3A_70 = arith.constant 100 : i32
      %mul3A_71 = arith.constant 2 : i32
      %mul3A_72 = arith.muli %mul3A_71, %scan3A_49 : i32
      %add3A_73 = arith.constant 0 : i32
      %add3A_74 = arith.addi %mul3A_72, %add3A_73 : i32
      %add3A_75 = arith.constant 2 : i32
      %add3A_76 = arith.addi %add3A_74, %add3A_75 : i32
      %lt3A = arith.constant 128 : i32
      %lt3A_77 = arith.cmpi slt, %add3A_76, %lt3A : i32
      %convert_element_type3A_78 = arith.extui %lt3A_77 : i1 to i32
      %cond3A_79 = arith.constant 0 : i32
      %cond3A_80 = arith.cmpi ne, %convert_element_type3A_78, %cond3A_79 : i32
      scf.if %cond3A_80 {
        %add3A_132 = arith.constant 2 : i32
        %add3A_133 = arith.addi %add3A_54, %add3A_132 : i32
        %dma_start3A_134 = arith.constant 0 : i32
        %dma_start3A_135 = arith.constant 0 : i32
        %dma_start3A_136 = tpu.memref_slice %arg2[%add3A_133, %dma_start3A_134, %dma_start3A_135] : memref<4096x200x128xf32, #tpu.memory_space<hbm>> -> memref<1x200x128xf32, #tpu.memory_space<hbm>>
        %dma_start3A_137 = tpu.memref_squeeze %dma_start3A_136 : memref<1x200x128xf32, #tpu.memory_space<hbm>> -> memref<200x128xf32, #tpu.memory_space<hbm>>
        %dma_start3A_138 = arith.constant 0 : i32
        %dma_start3A_139 = arith.constant 0 : i32
        %dma_start3A_140 = tpu.memref_slice %arg2[%add3A_133, %dma_start3A_138, %dma_start3A_139] : memref<4096x200x128xf32, #tpu.memory_space<hbm>> -> memref<1x200x128xf32, #tpu.memory_space<hbm>>
        %dma_start3A_141 = tpu.memref_squeeze %dma_start3A_140 : memref<1x200x128xf32, #tpu.memory_space<hbm>> -> memref<200x128xf32, #tpu.memory_space<hbm>>
        tpu.enqueue_dma source(%dma_start3A_141 : memref<200x128xf32, #tpu.memory_space<hbm>>) target(%arg6 : memref<200x128xf32, #tpu.memory_space<vmem>>) target_semaphore(%arg10 : memref<!tpu.dma_semaphore, #tpu.memory_space<semaphore_mem>>)
      } else {
      }
      %dma_start3A_81 = arith.constant 0 : i32
      %dma_start3A_82 = arith.constant 0 : i32
      %dma_start3A_83 = tpu.memref_slice %arg4[%add3A_54, %dma_start3A_81, %dma_start3A_82] : memref<4096x200x128xf32, #tpu.memory_space<hbm>> -> memref<1x200x128xf32, #tpu.memory_space<hbm>>
      %dma_start3A_84 = tpu.memref_squeeze %dma_start3A_83 : memref<1x200x128xf32, #tpu.memory_space<hbm>> -> memref<200x128xf32, #tpu.memory_space<hbm>>
      %dma_start3A_85 = arith.constant 0 : i32
      %dma_start3A_86 = arith.constant 0 : i32
      %dma_start3A_87 = tpu.memref_slice %arg4[%add3A_54, %dma_start3A_85, %dma_start3A_86] : memref<4096x200x128xf32, #tpu.memory_space<hbm>> -> memref<1x200x128xf32, #tpu.memory_space<hbm>>
      %dma_start3A_88 = tpu.memref_squeeze %dma_start3A_87 : memref<1x200x128xf32, #tpu.memory_space<hbm>> -> memref<200x128xf32, #tpu.memory_space<hbm>>
      tpu.enqueue_dma source(%arg8 : memref<200x128xf32, #tpu.memory_space<vmem>>) target(%dma_start3A_88 : memref<200x128xf32, #tpu.memory_space<hbm>>) target_semaphore(%arg12 : memref<!tpu.dma_semaphore, #tpu.memory_space<semaphore_mem>>)
      %mul3A_89 = arith.constant 2 : i32
      %mul3A_90 = arith.muli %mul3A_89, %scan3A_49 : i32
      %add3A_91 = arith.addi %mul3A_2, %mul3A_90 : i32
      %add3A_92 = arith.constant 1 : i32
      %add3A_93 = arith.addi %add3A_91, %add3A_92 : i32
      %dma_wait3A_94 = arith.constant 0 : i32
      %dma_wait3A_95 = arith.constant 0 : i32
      %dma_wait3A_96 = tpu.memref_slice %arg2[%add3A_93, %dma_wait3A_94, %dma_wait3A_95] : memref<4096x200x128xf32, #tpu.memory_space<hbm>> -> memref<1x200x128xf32, #tpu.memory_space<hbm>>
      %dma_wait3A_97 = tpu.memref_squeeze %dma_wait3A_96 : memref<1x200x128xf32, #tpu.memory_space<hbm>> -> memref<200x128xf32, #tpu.memory_space<hbm>>
      %dma_wait3A_98 = arith.constant 0 : i32
      %dma_wait3A_99 = arith.constant 0 : i32
      %dma_wait3A_100 = tpu.memref_slice %arg2[%add3A_93, %dma_wait3A_98, %dma_wait3A_99] : memref<4096x200x128xf32, #tpu.memory_space<hbm>> -> memref<1x200x128xf32, #tpu.memory_space<hbm>>
      %dma_wait3A_101 = tpu.memref_squeeze %dma_wait3A_100 : memref<1x200x128xf32, #tpu.memory_space<hbm>> -> memref<200x128xf32, #tpu.memory_space<hbm>>
      tpu.wait_dma2 semaphore(%arg11 : memref<!tpu.dma_semaphore, #tpu.memory_space<semaphore_mem>>) src(%dma_wait3A_101 : memref<200x128xf32, #tpu.memory_space<hbm>>) dst(%arg7 : memref<200x128xf32, #tpu.memory_space<vmem>>)
      %gt3A_102 = arith.constant 0 : i32
      %gt3A_103 = arith.cmpi sgt, %scan3A_49, %gt3A_102 : i32
      %convert_element_type3A_104 = arith.extui %gt3A_103 : i1 to i32
      %cond3A_105 = arith.constant 0 : i32
      %cond3A_106 = arith.cmpi ne, %convert_element_type3A_104, %cond3A_105 : i32
      scf.if %cond3A_106 {
        %sub3A_132 = arith.constant 2 : i32
        %sub3A_133 = arith.subi %add3A_93, %sub3A_132 : i32
        %dma_wait3A_134 = arith.constant 0 : i32
        %dma_wait3A_135 = arith.constant 0 : i32
        %dma_wait3A_136 = tpu.memref_slice %arg4[%sub3A_133, %dma_wait3A_134, %dma_wait3A_135] : memref<4096x200x128xf32, #tpu.memory_space<hbm>> -> memref<1x200x128xf32, #tpu.memory_space<hbm>>
        %dma_wait3A_137 = tpu.memref_squeeze %dma_wait3A_136 : memref<1x200x128xf32, #tpu.memory_space<hbm>> -> memref<200x128xf32, #tpu.memory_space<hbm>>
        %dma_wait3A_138 = arith.constant 0 : i32
        %dma_wait3A_139 = arith.constant 0 : i32
        %dma_wait3A_140 = tpu.memref_slice %arg4[%sub3A_133, %dma_wait3A_138, %dma_wait3A_139] : memref<4096x200x128xf32, #tpu.memory_space<hbm>> -> memref<1x200x128xf32, #tpu.memory_space<hbm>>
        %dma_wait3A_141 = tpu.memref_squeeze %dma_wait3A_140 : memref<1x200x128xf32, #tpu.memory_space<hbm>> -> memref<200x128xf32, #tpu.memory_space<hbm>>
        tpu.wait_dma2 semaphore(%arg13 : memref<!tpu.dma_semaphore, #tpu.memory_space<semaphore_mem>>) src(%arg9 : memref<200x128xf32, #tpu.memory_space<vmem>>) dst(%dma_wait3A_141 : memref<200x128xf32, #tpu.memory_space<hbm>>)
      } else {
      }
      %scan3A_107 = arith.constant 0 : i32
      %scan3A_108 = arith.constant 0 : i32
      %scan3A_109 = arith.constant 100 : i32
      %scan3A_110 = arith.addi %scan3A_108, %scan3A_109 : i32
      %scan3A_111 = arith.constant 1 : i32
      scf.for %scan3A_132 = %scan3A_108 to %scan3A_110 step %scan3A_111  : i32 {
        %mul3A_133 = arith.constant 2 : i32
        %mul3A_134 = arith.muli %mul3A_133, %scan3A_132 : i32
        %add3A_135 = arith.constant 0 : i32
        %add3A_136 = arith.addi %mul3A_134, %add3A_135 : i32
        %get3A = arith.index_cast %add3A_136 : i32 to index
        %get3A_137 = arith.constant 0 : index
        %get3A_138 = tpu.vector_load %arg7[%get3A, %get3A_137] {strides = array<i32>} : memref<200x128xf32, #tpu.memory_space<vmem>>, vector<1x16xf32>,
        %get3A_139 = vector.shape_cast %get3A_138 : vector<1x16xf32> to vector<16xf32>
        %get3A_140 = arith.index_cast %add3A_136 : i32 to index
        %get3A_141 = arith.constant 0 : index
        %get3A_142 = tpu.vector_load %arg5[%get3A_140, %get3A_141] {strides = array<i32>} : memref<200x128xf32, #tpu.memory_space<vmem>>, vector<1x16xf32>,
        %get3A_143 = vector.shape_cast %get3A_142 : vector<1x16xf32> to vector<16xf32>
        %add3A_144 = arith.addf %get3A_139, %get3A_143 : vector<16xf32>
        %swap3A = arith.index_cast %add3A_136 : i32 to index
        %swap3A_145 = arith.constant 0 : index
        %swap3A_146 = tpu.vector_load %arg9[%swap3A, %swap3A_145] {strides = array<i32>} : memref<200x128xf32, #tpu.memory_space<vmem>>, vector<1x16xf32>,
        %swap3A_147 = vector.shape_cast %swap3A_146 : vector<1x16xf32> to vector<16xf32>
        %swap3A_148 = vector.shape_cast %add3A_144 : vector<16xf32> to vector<1x16xf32>
        tpu.vector_store %arg9[%swap3A, %swap3A_145], %swap3A_148 {strides = array<i32>} : memref<200x128xf32, #tpu.memory_space<vmem>>, vector<1x16xf32>,
        %get3A_149 = arith.index_cast %add3A_136 : i32 to index
        %get3A_150 = arith.constant 16 : index
        %get3A_151 = tpu.vector_load %arg7[%get3A_149, %get3A_150] {strides = array<i32>} : memref<200x128xf32, #tpu.memory_space<vmem>>, vector<1x16xf32>,
        %get3A_152 = vector.shape_cast %get3A_151 : vector<1x16xf32> to vector<16xf32>
        %get3A_153 = arith.index_cast %add3A_136 : i32 to index
        %get3A_154 = arith.constant 16 : index
        %get3A_155 = tpu.vector_load %arg5[%get3A_153, %get3A_154] {strides = array<i32>} : memref<200x128xf32, #tpu.memory_space<vmem>>, vector<1x16xf32>,
        %get3A_156 = vector.shape_cast %get3A_155 : vector<1x16xf32> to vector<16xf32>
        %add3A_157 = arith.addf %get3A_152, %get3A_156 : vector<16xf32>
        %swap3A_158 = arith.index_cast %add3A_136 : i32 to index
        %swap3A_159 = arith.constant 16 : index
        %swap3A_160 = tpu.vector_load %arg9[%swap3A_158, %swap3A_159] {strides = array<i32>} : memref<200x128xf32, #tpu.memory_space<vmem>>, vector<1x16xf32>,
        %swap3A_161 = vector.shape_cast %swap3A_160 : vector<1x16xf32> to vector<16xf32>
        %swap3A_162 = vector.shape_cast %add3A_157 : vector<16xf32> to vector<1x16xf32>
        tpu.vector_store %arg9[%swap3A_158, %swap3A_159], %swap3A_162 {strides = array<i32>} : memref<200x128xf32, #tpu.memory_space<vmem>>, vector<1x16xf32>,
        %get3A_163 = arith.index_cast %add3A_136 : i32 to index
        %get3A_164 = arith.constant 32 : index
        %get3A_165 = tpu.vector_load %arg7[%get3A_163, %get3A_164] {strides = array<i32>} : memref<200x128xf32, #tpu.memory_space<vmem>>, vector<1x16xf32>,
        %get3A_166 = vector.shape_cast %get3A_165 : vector<1x16xf32> to vector<16xf32>
        %get3A_167 = arith.index_cast %add3A_136 : i32 to index
        %get3A_168 = arith.constant 32 : index
        %get3A_169 = tpu.vector_load %arg5[%get3A_167, %get3A_168] {strides = array<i32>} : memref<200x128xf32, #tpu.memory_space<vmem>>, vector<1x16xf32>,
        %get3A_170 = vector.shape_cast %get3A_169 : vector<1x16xf32> to vector<16xf32>
        %add3A_171 = arith.addf %get3A_166, %get3A_170 : vector<16xf32>
        %swap3A_172 = arith.index_cast %add3A_136 : i32 to index
        %swap3A_173 = arith.constant 32 : index
        %swap3A_174 = tpu.vector_load %arg9[%swap3A_172, %swap3A_173] {strides = array<i32>} : memref<200x128xf32, #tpu.memory_space<vmem>>, vector<1x16xf32>,
        %swap3A_175 = vector.shape_cast %swap3A_174 : vector<1x16xf32> to vector<16xf32>
        %swap3A_176 = vector.shape_cast %add3A_171 : vector<16xf32> to vector<1x16xf32>
        tpu.vector_store %arg9[%swap3A_172, %swap3A_173], %swap3A_176 {strides = array<i32>} : memref<200x128xf32, #tpu.memory_space<vmem>>, vector<1x16xf32>,
        %get3A_177 = arith.index_cast %add3A_136 : i32 to index
        %get3A_178 = arith.constant 48 : index
        %get3A_179 = tpu.vector_load %arg7[%get3A_177, %get3A_178] {strides = array<i32>} : memref<200x128xf32, #tpu.memory_space<vmem>>, vector<1x16xf32>,
        %get3A_180 = vector.shape_cast %get3A_179 : vector<1x16xf32> to vector<16xf32>
        %get3A_181 = arith.index_cast %add3A_136 : i32 to index
        %get3A_182 = arith.constant 48 : index
        %get3A_183 = tpu.vector_load %arg5[%get3A_181, %get3A_182] {strides = array<i32>} : memref<200x128xf32, #tpu.memory_space<vmem>>, vector<1x16xf32>,
        %get3A_184 = vector.shape_cast %get3A_183 : vector<1x16xf32> to vector<16xf32>
        %add3A_185 = arith.addf %get3A_180, %get3A_184 : vector<16xf32>
        %swap3A_186 = arith.index_cast %add3A_136 : i32 to index
        %swap3A_187 = arith.constant 48 : index
        %swap3A_188 = tpu.vector_load %arg9[%swap3A_186, %swap3A_187] {strides = array<i32>} : memref<200x128xf32, #tpu.memory_space<vmem>>, vector<1x16xf32>,
        %swap3A_189 = vector.shape_cast %swap3A_188 : vector<1x16xf32> to vector<16xf32>
        %swap3A_190 = vector.shape_cast %add3A_185 : vector<16xf32> to vector<1x16xf32>
        tpu.vector_store %arg9[%swap3A_186, %swap3A_187], %swap3A_190 {strides = array<i32>} : memref<200x128xf32, #tpu.memory_space<vmem>>, vector<1x16xf32>,
        %get3A_191 = arith.index_cast %add3A_136 : i32 to index
        %get3A_192 = arith.constant 64 : index
        %get3A_193 = tpu.vector_load %arg7[%get3A_191, %get3A_192] {strides = array<i32>} : memref<200x128xf32, #tpu.memory_space<vmem>>, vector<1x16xf32>,
        %get3A_194 = vector.shape_cast %get3A_193 : vector<1x16xf32> to vector<16xf32>
        %get3A_195 = arith.index_cast %add3A_136 : i32 to index
        %get3A_196 = arith.constant 64 : index
        %get3A_197 = tpu.vector_load %arg5[%get3A_195, %get3A_196] {strides = array<i32>} : memref<200x128xf32, #tpu.memory_space<vmem>>, vector<1x16xf32>,
        %get3A_198 = vector.shape_cast %get3A_197 : vector<1x16xf32> to vector<16xf32>
        %add3A_199 = arith.addf %get3A_194, %get3A_198 : vector<16xf32>
        %swap3A_200 = arith.index_cast %add3A_136 : i32 to index
        %swap3A_201 = arith.constant 64 : index
        %swap3A_202 = tpu.vector_load %arg9[%swap3A_200, %swap3A_201] {strides = array<i32>} : memref<200x128xf32, #tpu.memory_space<vmem>>, vector<1x16xf32>,
        %swap3A_203 = vector.shape_cast %swap3A_202 : vector<1x16xf32> to vector<16xf32>
        %swap3A_204 = vector.shape_cast %add3A_199 : vector<16xf32> to vector<1x16xf32>
        tpu.vector_store %arg9[%swap3A_200, %swap3A_201], %swap3A_204 {strides = array<i32>} : memref<200x128xf32, #tpu.memory_space<vmem>>, vector<1x16xf32>,
        %get3A_205 = arith.index_cast %add3A_136 : i32 to index
        %get3A_206 = arith.constant 80 : index
        %get3A_207 = tpu.vector_load %arg7[%get3A_205, %get3A_206] {strides = array<i32>} : memref<200x128xf32, #tpu.memory_space<vmem>>, vector<1x16xf32>,
        %get3A_208 = vector.shape_cast %get3A_207 : vector<1x16xf32> to vector<16xf32>
        %get3A_209 = arith.index_cast %add3A_136 : i32 to index
        %get3A_210 = arith.constant 80 : index
        %get3A_211 = tpu.vector_load %arg5[%get3A_209, %get3A_210] {strides = array<i32>} : memref<200x128xf32, #tpu.memory_space<vmem>>, vector<1x16xf32>,
        %get3A_212 = vector.shape_cast %get3A_211 : vector<1x16xf32> to vector<16xf32>
        %add3A_213 = arith.addf %get3A_208, %get3A_212 : vector<16xf32>
        %swap3A_214 = arith.index_cast %add3A_136 : i32 to index
        %swap3A_215 = arith.constant 80 : index
        %swap3A_216 = tpu.vector_load %arg9[%swap3A_214, %swap3A_215] {strides = array<i32>} : memref<200x128xf32, #tpu.memory_space<vmem>>, vector<1x16xf32>,
        %swap3A_217 = vector.shape_cast %swap3A_216 : vector<1x16xf32> to vector<16xf32>
        %swap3A_218 = vector.shape_cast %add3A_213 : vector<16xf32> to vector<1x16xf32>
        tpu.vector_store %arg9[%swap3A_214, %swap3A_215], %swap3A_218 {strides = array<i32>} : memref<200x128xf32, #tpu.memory_space<vmem>>, vector<1x16xf32>,
        %get3A_219 = arith.index_cast %add3A_136 : i32 to index
        %get3A_220 = arith.constant 96 : index
        %get3A_221 = tpu.vector_load %arg7[%get3A_219, %get3A_220] {strides = array<i32>} : memref<200x128xf32, #tpu.memory_space<vmem>>, vector<1x16xf32>,
        %get3A_222 = vector.shape_cast %get3A_221 : vector<1x16xf32> to vector<16xf32>
        %get3A_223 = arith.index_cast %add3A_136 : i32 to index
        %get3A_224 = arith.constant 96 : index
        %get3A_225 = tpu.vector_load %arg5[%get3A_223, %get3A_224] {strides = array<i32>} : memref<200x128xf32, #tpu.memory_space<vmem>>, vector<1x16xf32>,
        %get3A_226 = vector.shape_cast %get3A_225 : vector<1x16xf32> to vector<16xf32>
        %add3A_227 = arith.addf %get3A_222, %get3A_226 : vector<16xf32>
        %swap3A_228 = arith.index_cast %add3A_136 : i32 to index
        %swap3A_229 = arith.constant 96 : index
        %swap3A_230 = tpu.vector_load %arg9[%swap3A_228, %swap3A_229] {strides = array<i32>} : memref<200x128xf32, #tpu.memory_space<vmem>>, vector<1x16xf32>,
        %swap3A_231 = vector.shape_cast %swap3A_230 : vector<1x16xf32> to vector<16xf32>
        %swap3A_232 = vector.shape_cast %add3A_227 : vector<16xf32> to vector<1x16xf32>
        tpu.vector_store %arg9[%swap3A_228, %swap3A_229], %swap3A_232 {strides = array<i32>} : memref<200x128xf32, #tpu.memory_space<vmem>>, vector<1x16xf32>,
        %get3A_233 = arith.index_cast %add3A_136 : i32 to index
        %get3A_234 = arith.constant 112 : index
        %get3A_235 = tpu.vector_load %arg7[%get3A_233, %get3A_234] {strides = array<i32>} : memref<200x128xf32, #tpu.memory_space<vmem>>, vector<1x16xf32>,
        %get3A_236 = vector.shape_cast %get3A_235 : vector<1x16xf32> to vector<16xf32>
        %get3A_237 = arith.index_cast %add3A_136 : i32 to index
        %get3A_238 = arith.constant 112 : index
        %get3A_239 = tpu.vector_load %arg5[%get3A_237, %get3A_238] {strides = array<i32>} : memref<200x128xf32, #tpu.memory_space<vmem>>, vector<1x16xf32>,
        %get3A_240 = vector.shape_cast %get3A_239 : vector<1x16xf32> to vector<16xf32>
        %add3A_241 = arith.addf %get3A_236, %get3A_240 : vector<16xf32>
        %swap3A_242 = arith.index_cast %add3A_136 : i32 to index
        %swap3A_243 = arith.constant 112 : index
        %swap3A_244 = tpu.vector_load %arg9[%swap3A_242, %swap3A_243] {strides = array<i32>} : memref<200x128xf32, #tpu.memory_space<vmem>>, vector<1x16xf32>,
        %swap3A_245 = vector.shape_cast %swap3A_244 : vector<1x16xf32> to vector<16xf32>
        %swap3A_246 = vector.shape_cast %add3A_241 : vector<16xf32> to vector<1x16xf32>
        tpu.vector_store %arg9[%swap3A_242, %swap3A_243], %swap3A_246 {strides = array<i32>} : memref<200x128xf32, #tpu.memory_space<vmem>>, vector<1x16xf32>,
        %mul3A_247 = arith.constant 2 : i32
        %mul3A_248 = arith.muli %mul3A_247, %scan3A_132 : i32
        %add3A_249 = arith.constant 1 : i32
        %add3A_250 = arith.addi %mul3A_248, %add3A_249 : i32
        %get3A_251 = arith.index_cast %add3A_250 : i32 to index
        %get3A_252 = arith.constant 0 : index
        %get3A_253 = tpu.vector_load %arg7[%get3A_251, %get3A_252] {strides = array<i32>} : memref<200x128xf32, #tpu.memory_space<vmem>>, vector<1x16xf32>,
        %get3A_254 = vector.shape_cast %get3A_253 : vector<1x16xf32> to vector<16xf32>
        %get3A_255 = arith.index_cast %add3A_250 : i32 to index
        %get3A_256 = arith.constant 0 : index
        %get3A_257 = tpu.vector_load %arg5[%get3A_255, %get3A_256] {strides = array<i32>} : memref<200x128xf32, #tpu.memory_space<vmem>>, vector<1x16xf32>,
        %get3A_258 = vector.shape_cast %get3A_257 : vector<1x16xf32> to vector<16xf32>
        %add3A_259 = arith.addf %get3A_254, %get3A_258 : vector<16xf32>
        %swap3A_260 = arith.index_cast %add3A_250 : i32 to index
        %swap3A_261 = arith.constant 0 : index
        %swap3A_262 = tpu.vector_load %arg9[%swap3A_260, %swap3A_261] {strides = array<i32>} : memref<200x128xf32, #tpu.memory_space<vmem>>, vector<1x16xf32>,
        %swap3A_263 = vector.shape_cast %swap3A_262 : vector<1x16xf32> to vector<16xf32>
        %swap3A_264 = vector.shape_cast %add3A_259 : vector<16xf32> to vector<1x16xf32>
        tpu.vector_store %arg9[%swap3A_260, %swap3A_261], %swap3A_264 {strides = array<i32>} : memref<200x128xf32, #tpu.memory_space<vmem>>, vector<1x16xf32>,
        %get3A_265 = arith.index_cast %add3A_250 : i32 to index
        %get3A_266 = arith.constant 16 : index
        %get3A_267 = tpu.vector_load %arg7[%get3A_265, %get3A_266] {strides = array<i32>} : memref<200x128xf32, #tpu.memory_space<vmem>>, vector<1x16xf32>,
        %get3A_268 = vector.shape_cast %get3A_267 : vector<1x16xf32> to vector<16xf32>
        %get3A_269 = arith.index_cast %add3A_250 : i32 to index
        %get3A_270 = arith.constant 16 : index
        %get3A_271 = tpu.vector_load %arg5[%get3A_269, %get3A_270] {strides = array<i32>} : memref<200x128xf32, #tpu.memory_space<vmem>>, vector<1x16xf32>,
        %get3A_272 = vector.shape_cast %get3A_271 : vector<1x16xf32> to vector<16xf32>
        %add3A_273 = arith.addf %get3A_268, %get3A_272 : vector<16xf32>
        %swap3A_274 = arith.index_cast %add3A_250 : i32 to index
        %swap3A_275 = arith.constant 16 : index
        %swap3A_276 = tpu.vector_load %arg9[%swap3A_274, %swap3A_275] {strides = array<i32>} : memref<200x128xf32, #tpu.memory_space<vmem>>, vector<1x16xf32>,
        %swap3A_277 = vector.shape_cast %swap3A_276 : vector<1x16xf32> to vector<16xf32>
        %swap3A_278 = vector.shape_cast %add3A_273 : vector<16xf32> to vector<1x16xf32>
        tpu.vector_store %arg9[%swap3A_274, %swap3A_275], %swap3A_278 {strides = array<i32>} : memref<200x128xf32, #tpu.memory_space<vmem>>, vector<1x16xf32>,
        %get3A_279 = arith.index_cast %add3A_250 : i32 to index
        %get3A_280 = arith.constant 32 : index
        %get3A_281 = tpu.vector_load %arg7[%get3A_279, %get3A_280] {strides = array<i32>} : memref<200x128xf32, #tpu.memory_space<vmem>>, vector<1x16xf32>,
        %get3A_282 = vector.shape_cast %get3A_281 : vector<1x16xf32> to vector<16xf32>
        %get3A_283 = arith.index_cast %add3A_250 : i32 to index
        %get3A_284 = arith.constant 32 : index
        %get3A_285 = tpu.vector_load %arg5[%get3A_283, %get3A_284] {strides = array<i32>} : memref<200x128xf32, #tpu.memory_space<vmem>>, vector<1x16xf32>,
        %get3A_286 = vector.shape_cast %get3A_285 : vector<1x16xf32> to vector<16xf32>
        %add3A_287 = arith.addf %get3A_282, %get3A_286 : vector<16xf32>
        %swap3A_288 = arith.index_cast %add3A_250 : i32 to index
        %swap3A_289 = arith.constant 32 : index
        %swap3A_290 = tpu.vector_load %arg9[%swap3A_288, %swap3A_289] {strides = array<i32>} : memref<200x128xf32, #tpu.memory_space<vmem>>, vector<1x16xf32>,
        %swap3A_291 = vector.shape_cast %swap3A_290 : vector<1x16xf32> to vector<16xf32>
        %swap3A_292 = vector.shape_cast %add3A_287 : vector<16xf32> to vector<1x16xf32>
        tpu.vector_store %arg9[%swap3A_288, %swap3A_289], %swap3A_292 {strides = array<i32>} : memref<200x128xf32, #tpu.memory_space<vmem>>, vector<1x16xf32>,
        %get3A_293 = arith.index_cast %add3A_250 : i32 to index
        %get3A_294 = arith.constant 48 : index
        %get3A_295 = tpu.vector_load %arg7[%get3A_293, %get3A_294] {strides = array<i32>} : memref<200x128xf32, #tpu.memory_space<vmem>>, vector<1x16xf32>,
        %get3A_296 = vector.shape_cast %get3A_295 : vector<1x16xf32> to vector<16xf32>
        %get3A_297 = arith.index_cast %add3A_250 : i32 to index
        %get3A_298 = arith.constant 48 : index
        %get3A_299 = tpu.vector_load %arg5[%get3A_297, %get3A_298] {strides = array<i32>} : memref<200x128xf32, #tpu.memory_space<vmem>>, vector<1x16xf32>,
        %get3A_300 = vector.shape_cast %get3A_299 : vector<1x16xf32> to vector<16xf32>
        %add3A_301 = arith.addf %get3A_296, %get3A_300 : vector<16xf32>
        %swap3A_302 = arith.index_cast %add3A_250 : i32 to index
        %swap3A_303 = arith.constant 48 : index
        %swap3A_304 = tpu.vector_load %arg9[%swap3A_302, %swap3A_303] {strides = array<i32>} : memref<200x128xf32, #tpu.memory_space<vmem>>, vector<1x16xf32>,
        %swap3A_305 = vector.shape_cast %swap3A_304 : vector<1x16xf32> to vector<16xf32>
        %swap3A_306 = vector.shape_cast %add3A_301 : vector<16xf32> to vector<1x16xf32>
        tpu.vector_store %arg9[%swap3A_302, %swap3A_303], %swap3A_306 {strides = array<i32>} : memref<200x128xf32, #tpu.memory_space<vmem>>, vector<1x16xf32>,
        %get3A_307 = arith.index_cast %add3A_250 : i32 to index
        %get3A_308 = arith.constant 64 : index
        %get3A_309 = tpu.vector_load %arg7[%get3A_307, %get3A_308] {strides = array<i32>} : memref<200x128xf32, #tpu.memory_space<vmem>>, vector<1x16xf32>,
        %get3A_310 = vector.shape_cast %get3A_309 : vector<1x16xf32> to vector<16xf32>
        %get3A_311 = arith.index_cast %add3A_250 : i32 to index
        %get3A_312 = arith.constant 64 : index
        %get3A_313 = tpu.vector_load %arg5[%get3A_311, %get3A_312] {strides = array<i32>} : memref<200x128xf32, #tpu.memory_space<vmem>>, vector<1x16xf32>,
        %get3A_314 = vector.shape_cast %get3A_313 : vector<1x16xf32> to vector<16xf32>
        %add3A_315 = arith.addf %get3A_310, %get3A_314 : vector<16xf32>
        %swap3A_316 = arith.index_cast %add3A_250 : i32 to index
        %swap3A_317 = arith.constant 64 : index
        %swap3A_318 = tpu.vector_load %arg9[%swap3A_316, %swap3A_317] {strides = array<i32>} : memref<200x128xf32, #tpu.memory_space<vmem>>, vector<1x16xf32>,
        %swap3A_319 = vector.shape_cast %swap3A_318 : vector<1x16xf32> to vector<16xf32>
        %swap3A_320 = vector.shape_cast %add3A_315 : vector<16xf32> to vector<1x16xf32>
        tpu.vector_store %arg9[%swap3A_316, %swap3A_317], %swap3A_320 {strides = array<i32>} : memref<200x128xf32, #tpu.memory_space<vmem>>, vector<1x16xf32>,
        %get3A_321 = arith.index_cast %add3A_250 : i32 to index
        %get3A_322 = arith.constant 80 : index
        %get3A_323 = tpu.vector_load %arg7[%get3A_321, %get3A_322] {strides = array<i32>} : memref<200x128xf32, #tpu.memory_space<vmem>>, vector<1x16xf32>,
        %get3A_324 = vector.shape_cast %get3A_323 : vector<1x16xf32> to vector<16xf32>
        %get3A_325 = arith.index_cast %add3A_250 : i32 to index
        %get3A_326 = arith.constant 80 : index
        %get3A_327 = tpu.vector_load %arg5[%get3A_325, %get3A_326] {strides = array<i32>} : memref<200x128xf32, #tpu.memory_space<vmem>>, vector<1x16xf32>,
        %get3A_328 = vector.shape_cast %get3A_327 : vector<1x16xf32> to vector<16xf32>
        %add3A_329 = arith.addf %get3A_324, %get3A_328 : vector<16xf32>
        %swap3A_330 = arith.index_cast %add3A_250 : i32 to index
        %swap3A_331 = arith.constant 80 : index
        %swap3A_332 = tpu.vector_load %arg9[%swap3A_330, %swap3A_331] {strides = array<i32>} : memref<200x128xf32, #tpu.memory_space<vmem>>, vector<1x16xf32>,
        %swap3A_333 = vector.shape_cast %swap3A_332 : vector<1x16xf32> to vector<16xf32>
        %swap3A_334 = vector.shape_cast %add3A_329 : vector<16xf32> to vector<1x16xf32>
        tpu.vector_store %arg9[%swap3A_330, %swap3A_331], %swap3A_334 {strides = array<i32>} : memref<200x128xf32, #tpu.memory_space<vmem>>, vector<1x16xf32>,
        %get3A_335 = arith.index_cast %add3A_250 : i32 to index
        %get3A_336 = arith.constant 96 : index
        %get3A_337 = tpu.vector_load %arg7[%get3A_335, %get3A_336] {strides = array<i32>} : memref<200x128xf32, #tpu.memory_space<vmem>>, vector<1x16xf32>,
        %get3A_338 = vector.shape_cast %get3A_337 : vector<1x16xf32> to vector<16xf32>
        %get3A_339 = arith.index_cast %add3A_250 : i32 to index
        %get3A_340 = arith.constant 96 : index
        %get3A_341 = tpu.vector_load %arg5[%get3A_339, %get3A_340] {strides = array<i32>} : memref<200x128xf32, #tpu.memory_space<vmem>>, vector<1x16xf32>,
        %get3A_342 = vector.shape_cast %get3A_341 : vector<1x16xf32> to vector<16xf32>
        %add3A_343 = arith.addf %get3A_338, %get3A_342 : vector<16xf32>
        %swap3A_344 = arith.index_cast %add3A_250 : i32 to index
        %swap3A_345 = arith.constant 96 : index
        %swap3A_346 = tpu.vector_load %arg9[%swap3A_344, %swap3A_345] {strides = array<i32>} : memref<200x128xf32, #tpu.memory_space<vmem>>, vector<1x16xf32>,
        %swap3A_347 = vector.shape_cast %swap3A_346 : vector<1x16xf32> to vector<16xf32>
        %swap3A_348 = vector.shape_cast %add3A_343 : vector<16xf32> to vector<1x16xf32>
        tpu.vector_store %arg9[%swap3A_344, %swap3A_345], %swap3A_348 {strides = array<i32>} : memref<200x128xf32, #tpu.memory_space<vmem>>, vector<1x16xf32>,
        %get3A_349 = arith.index_cast %add3A_250 : i32 to index
        %get3A_350 = arith.constant 112 : index
        %get3A_351 = tpu.vector_load %arg7[%get3A_349, %get3A_350] {strides = array<i32>} : memref<200x128xf32, #tpu.memory_space<vmem>>, vector<1x16xf32>,
        %get3A_352 = vector.shape_cast %get3A_351 : vector<1x16xf32> to vector<16xf32>
        %get3A_353 = arith.index_cast %add3A_250 : i32 to index
        %get3A_354 = arith.constant 112 : index
        %get3A_355 = tpu.vector_load %arg5[%get3A_353, %get3A_354] {strides = array<i32>} : memref<200x128xf32, #tpu.memory_space<vmem>>, vector<1x16xf32>,
        %get3A_356 = vector.shape_cast %get3A_355 : vector<1x16xf32> to vector<16xf32>
        %add3A_357 = arith.addf %get3A_352, %get3A_356 : vector<16xf32>
        %swap3A_358 = arith.index_cast %add3A_250 : i32 to index
        %swap3A_359 = arith.constant 112 : index
        %swap3A_360 = tpu.vector_load %arg9[%swap3A_358, %swap3A_359] {strides = array<i32>} : memref<200x128xf32, #tpu.memory_space<vmem>>, vector<1x16xf32>,
        %swap3A_361 = vector.shape_cast %swap3A_360 : vector<1x16xf32> to vector<16xf32>
        %swap3A_362 = vector.shape_cast %add3A_357 : vector<16xf32> to vector<1x16xf32>
        tpu.vector_store %arg9[%swap3A_358, %swap3A_359], %swap3A_362 {strides = array<i32>} : memref<200x128xf32, #tpu.memory_space<vmem>>, vector<1x16xf32>,
      }
      %scan3A_112 = arith.constant 100 : i32
      %mul3A_113 = arith.constant 2 : i32
      %mul3A_114 = arith.muli %mul3A_113, %scan3A_49 : i32
      %add3A_115 = arith.constant 1 : i32
      %add3A_116 = arith.addi %mul3A_114, %add3A_115 : i32
      %add3A_117 = arith.constant 2 : i32
      %add3A_118 = arith.addi %add3A_116, %add3A_117 : i32
      %lt3A_119 = arith.constant 128 : i32
      %lt3A_120 = arith.cmpi slt, %add3A_118, %lt3A_119 : i32
      %convert_element_type3A_121 = arith.extui %lt3A_120 : i1 to i32
      %cond3A_122 = arith.constant 0 : i32
      %cond3A_123 = arith.cmpi ne, %convert_element_type3A_121, %cond3A_122 : i32
      scf.if %cond3A_123 {
        %add3A_132 = arith.constant 2 : i32
        %add3A_133 = arith.addi %add3A_93, %add3A_132 : i32
        %dma_start3A_134 = arith.constant 0 : i32
        %dma_start3A_135 = arith.constant 0 : i32
        %dma_start3A_136 = tpu.memref_slice %arg2[%add3A_133, %dma_start3A_134, %dma_start3A_135] : memref<4096x200x128xf32, #tpu.memory_space<hbm>> -> memref<1x200x128xf32, #tpu.memory_space<hbm>>
        %dma_start3A_137 = tpu.memref_squeeze %dma_start3A_136 : memref<1x200x128xf32, #tpu.memory_space<hbm>> -> memref<200x128xf32, #tpu.memory_space<hbm>>
        %dma_start3A_138 = arith.constant 0 : i32
        %dma_start3A_139 = arith.constant 0 : i32
        %dma_start3A_140 = tpu.memref_slice %arg2[%add3A_133, %dma_start3A_138, %dma_start3A_139] : memref<4096x200x128xf32, #tpu.memory_space<hbm>> -> memref<1x200x128xf32, #tpu.memory_space<hbm>>
        %dma_start3A_141 = tpu.memref_squeeze %dma_start3A_140 : memref<1x200x128xf32, #tpu.memory_space<hbm>> -> memref<200x128xf32, #tpu.memory_space<hbm>>
        tpu.enqueue_dma source(%dma_start3A_141 : memref<200x128xf32, #tpu.memory_space<hbm>>) target(%arg7 : memref<200x128xf32, #tpu.memory_space<vmem>>) target_semaphore(%arg11 : memref<!tpu.dma_semaphore, #tpu.memory_space<semaphore_mem>>)
      } else {
      }
      %dma_start3A_124 = arith.constant 0 : i32
      %dma_start3A_125 = arith.constant 0 : i32
      %dma_start3A_126 = tpu.memref_slice %arg4[%add3A_93, %dma_start3A_124, %dma_start3A_125] : memref<4096x200x128xf32, #tpu.memory_space<hbm>> -> memref<1x200x128xf32, #tpu.memory_space<hbm>>
      %dma_start3A_127 = tpu.memref_squeeze %dma_start3A_126 : memref<1x200x128xf32, #tpu.memory_space<hbm>> -> memref<200x128xf32, #tpu.memory_space<hbm>>
      %dma_start3A_128 = arith.constant 0 : i32
      %dma_start3A_129 = arith.constant 0 : i32
      %dma_start3A_130 = tpu.memref_slice %arg4[%add3A_93, %dma_start3A_128, %dma_start3A_129] : memref<4096x200x128xf32, #tpu.memory_space<hbm>> -> memref<1x200x128xf32, #tpu.memory_space<hbm>>
      %dma_start3A_131 = tpu.memref_squeeze %dma_start3A_130 : memref<1x200x128xf32, #tpu.memory_space<hbm>> -> memref<200x128xf32, #tpu.memory_space<hbm>>
      tpu.enqueue_dma source(%arg9 : memref<200x128xf32, #tpu.memory_space<vmem>>) target(%dma_start3A_131 : memref<200x128xf32, #tpu.memory_space<hbm>>) target_semaphore(%arg13 : memref<!tpu.dma_semaphore, #tpu.memory_space<semaphore_mem>>)
    }
    %scan3A_26 = arith.constant 64 : i32
    %add3A_27 = arith.constant 128 : i32
    %add3A_28 = arith.addi %mul3A_2, %add3A_27 : i32
    %sub3A = arith.constant 2 : i32
    %sub3A_29 = arith.subi %add3A_28, %sub3A : i32
    %dma_wait3A = arith.constant 0 : i32
    %dma_wait3A_30 = arith.constant 0 : i32
    %dma_wait3A_31 = tpu.memref_slice %arg4[%sub3A_29, %dma_wait3A, %dma_wait3A_30] : memref<4096x200x128xf32, #tpu.memory_space<hbm>> -> memref<1x200x128xf32, #tpu.memory_space<hbm>>
    %dma_wait3A_32 = tpu.memref_squeeze %dma_wait3A_31 : memref<1x200x128xf32, #tpu.memory_space<hbm>> -> memref<200x128xf32, #tpu.memory_space<hbm>>
    %dma_wait3A_33 = arith.constant 0 : i32
    %dma_wait3A_34 = arith.constant 0 : i32
    %dma_wait3A_35 = tpu.memref_slice %arg4[%sub3A_29, %dma_wait3A_33, %dma_wait3A_34] : memref<4096x200x128xf32, #tpu.memory_space<hbm>> -> memref<1x200x128xf32, #tpu.memory_space<hbm>>
    %dma_wait3A_36 = tpu.memref_squeeze %dma_wait3A_35 : memref<1x200x128xf32, #tpu.memory_space<hbm>> -> memref<200x128xf32, #tpu.memory_space<hbm>>
    tpu.wait_dma2 semaphore(%arg12 : memref<!tpu.dma_semaphore, #tpu.memory_space<semaphore_mem>>) src(%arg8 : memref<200x128xf32, #tpu.memory_space<vmem>>) dst(%dma_wait3A_36 : memref<200x128xf32, #tpu.memory_space<hbm>>)
    %add3A_37 = arith.constant 128 : i32
    %add3A_38 = arith.addi %mul3A_2, %add3A_37 : i32
    %sub3A_39 = arith.constant 1 : i32
    %sub3A_40 = arith.subi %add3A_38, %sub3A_39 : i32
    %dma_wait3A_41 = arith.constant 0 : i32
    %dma_wait3A_42 = arith.constant 0 : i32
    %dma_wait3A_43 = tpu.memref_slice %arg4[%sub3A_40, %dma_wait3A_41, %dma_wait3A_42] : memref<4096x200x128xf32, #tpu.memory_space<hbm>> -> memref<1x200x128xf32, #tpu.memory_space<hbm>>
    %dma_wait3A_44 = tpu.memref_squeeze %dma_wait3A_43 : memref<1x200x128xf32, #tpu.memory_space<hbm>> -> memref<200x128xf32, #tpu.memory_space<hbm>>
    %dma_wait3A_45 = arith.constant 0 : i32
    %dma_wait3A_46 = arith.constant 0 : i32
    %dma_wait3A_47 = tpu.memref_slice %arg4[%sub3A_40, %dma_wait3A_45, %dma_wait3A_46] : memref<4096x200x128xf32, #tpu.memory_space<hbm>> -> memref<1x200x128xf32, #tpu.memory_space<hbm>>
    %dma_wait3A_48 = tpu.memref_squeeze %dma_wait3A_47 : memref<1x200x128xf32, #tpu.memory_space<hbm>> -> memref<200x128xf32, #tpu.memory_space<hbm>>
    tpu.wait_dma2 semaphore(%arg13 : memref<!tpu.dma_semaphore, #tpu.memory_space<semaphore_mem>>) src(%arg9 : memref<200x128xf32, #tpu.memory_space<vmem>>) dst(%dma_wait3A_48 : memref<200x128xf32, #tpu.memory_space<hbm>>)
    return
  }
}

</mosaic_0001>

<sc_bundles>
// kernel: kernel.3.cloned.1.call-start
scs
__scs_entry_jumppad:
0x0: {  	(pc) =	sbr.rel $0x88, $3  }
0x1: {  	(tag) =	ssettag $0x0;
	lr =	simm.s32 $0x1  }
0x2: {  	[smem:$0x3F9F] =	sst lr;
	_ =	strace $0xD0000000  }
0x3: {  	_ = 	snop  }
0x4: {  	_ = 	snop  }
0x5: {  	_ = 	snop  }
0x6: {  	_ = 	snop  }
0x7: {  	_ = 	snop  }
__scs_overlays_trampoline_lowered:
0x8: {  	[smem:$0x3FAE] =	sst s0  }
0x9: {  	[smem:$0x3FAF] =	sst s1  }
0xa: {  	[smem:$0x3FB0] =	sst s2  }
0xb: {  	[smem:$0x3FB1] =	sst s3  }
0xc: {  	[smem:$0x3FB2] =	sst s4  }
0xd: {  	[smem:$0x3FB3] =	sst s5  }
0xe: {  	[smem:$0x3FB4] =	sst s6  }
0xf: {  	[smem:$0x3FB5] =	sst s7  }
0x10: {  	[smem:$0x3FB6] =	sst s8  }
0x11: {  	[smem:$0x3FB7] =	sst s9;
	s0 =	simm.s32 @!p0 $0x0  }
0x12: {  	s1 =	sld [smem:$0x3F9D];
	s0 =	simm.s32 @p0 $0x1  }
0x13: {  	[smem:$0x3FB8] =	sst s0;
	s0 =	simm.s32 @!p1 $0x0  }
0x14: {  	s2 =	sld [smem:$0x3F9C];
	s0 =	simm.s32 @p1 $0x1  }
0x15: {  	[smem:$0x3FB9] =	sst s0;
	s0 =	simm.s32 @!p2 $0x0  }
0x16: {  	s3 =	sld [smem:$0x3FDB];
	s0 =	simm.s32 @p2 $0x1  }
0x17: {  	s4 =	simm.s32 $0x1BF5;
	[smem:$0x3FBB] =	sst s0  }
0x18: {  	s0 =	sld [smem:$0x3F9E];
	_ =	swait.ge [sflag:s4], $0x0  }
0x19: {  	s7 =	sld [smem:$0x3F9F]  }
0x1a: {  	s8 =	sadd.s32 $0xFFFFE003, lr  }
0x1b: {  	s9 =	sadd.s32 $0xFFFFFEF7, lr;
	s5 =	simm.s32 $0xFFFFFFFF;
	p2 =	slt.u32 s8, $0xFFFFF086  }
0x1c: {  	p1 =	slt.u32 s9, $0xF7A;
	s5 =	simm.s32 @!p2 $0x0  }
0x1d: {  	s5 =	simm.s32 @p1 $0x1;
	p0 =	seq.s32 s7, s2  }
0x1e: {  	s7 =	smul.u32 @!p0 $0xF7A, s2;
	p2 =	seq.s32 @!p0 s5, $0x0  }
0x1f: {  	s9 =	smul.u32 $0xF7A, s1;
	s8 =	simm.s32 @!p0 $0x1BF5;
	p2 =	por !p2, p0  }
0x20: {  	[sflag:s8] =	ssyncset.s32 @!p0 $0xFFFFF086;
	s6 =	sadd.s32 @!p0 s3, s7;
	s7 =	simm.s32 @!p0 $0x108  }
0x21: {  	s3 =	sadd.s32 s3, s9;
	s6 =	sadd.s32 @!p0 $0x88, s6;
	s7 =	simm.s32 @p2 $0x1082  }
0x22: {  	[simem:s7], [sflag:s8] =	dma.local @!p0 [hbm:s6], $0xF7A  }
0x23: {  	s9 =	sor.u32 $0xD0000000, s2;
	s6 =	simm.s32 $0x108;
	_ =	swait.ge @!p0 [sflag:s8], $0x0  }
0x24: {  	s3 =	sadd.s32 $0x88, s3;
	s6 =	simm.s32 @!p1 $0x1082;
	[sflag:s4] =	ssyncset.s32 $0xFFFFF086  }
0x25: {  	[simem:s6], [sflag:s4] =	dma.local [hbm:s3], $0xF7A  }
0x26: {  	[smem:$0x3F9F] =	sst s1;
	(tag) =	ssettag s2;
	_ =	strace s9  }
0x27: {  	s1 =	sld [smem:$0x3FAF]  }
0x28: {  	s2 =	sld [smem:$0x3FB0]  }
0x29: {  	s4 =	sld [smem:$0x3FB2]  }
0x2a: {  	p0 =	seq.s32 s5, $0x0;
	s5 =	sld [smem:$0x3FB3]  }
0x2b: {  	s6 =	sld [smem:$0x3FB4]  }
0x2c: {  	s7 =	sld [smem:$0x3FB5]  }
0x2d: {  	s3 =	simm.s32 $0x108;
	s8 =	sld [smem:$0x3FB6]  }
0x2e: {  	s3 =	simm.s32 @!p0 $0x1082;
	s9 =	sld [smem:$0x3FB7]  }
0x2f: {  	lr =	sadd.s32 s0, s3;
	s0 =	sld [smem:$0x3FAE]  }
0x30: {  	s3 =	sld [smem:$0x3FB1]  }
0x31: {  	[smem:$0x3FBA] =	sst s10  }
0x32: {  	s10 =	sld [smem:$0x3FB8];
	_ =	sdelay $0x3  }
0x33: {  	p0 =	seq.s32 s10, $0x1;
	s10 =	sld [smem:$0x3FBA];
	_ =	sdelay $0x3  }
0x34: {  	[smem:$0x3FBA] =	sst s10  }
0x35: {  	s10 =	sld [smem:$0x3FB9];
	_ =	sdelay $0x3  }
0x36: {  	p1 =	seq.s32 s10, $0x1;
	s10 =	sld [smem:$0x3FBA];
	_ =	sdelay $0x3  }
0x37: {  	[smem:$0x3FBA] =	sst s10  }
0x38: {  	s10 =	sld [smem:$0x3FBB]  }
0x39: {  	_ = 	snop;
	(pc) =	sbr.ind lr, $3  }
0x3a: {  	_ = 	snop  }
0x3b: {  	_ = 	snop  }
0x3c: {  	p2 =	seq.s32 s10, $0x1;
	s10 =	sld [smem:$0x3FBA]  }
0x3d: {  	_ =	shalt  }
0x3e: {  	_ =	shalt  }
0x3f: {  	_ =	shalt  }
0x40: {  	_ =	shalt  }
0x41: {  	_ =	shalt  }
0x42: {  	_ =	shalt  }
0x43: {  	_ =	shalt  }
0x44: {  	_ =	shalt  }
0x45: {  	_ =	shalt  }
0x46: {  	_ =	shalt  }
0x47: {  	_ =	shalt  }
0x48: {  	_ =	shalt  }
0x49: {  	_ =	shalt  }
0x4a: {  	_ =	shalt  }
0x4b: {  	_ =	shalt  }
0x4c: {  	_ =	shalt  }
0x4d: {  	_ =	shalt  }
0x4e: {  	_ =	shalt  }
0x4f: {  	_ =	shalt  }
0x50: {  	_ =	shalt  }
0x51: {  	_ =	shalt  }
0x52: {  	_ =	shalt  }
0x53: {  	_ =	shalt  }
0x54: {  	_ =	shalt  }
0x55: {  	_ =	shalt  }
0x56: {  	_ =	shalt  }
0x57: {  	_ =	shalt  }
0x58: {  	_ =	shalt  }
0x59: {  	_ =	shalt  }
0x5a: {  	_ =	shalt  }
0x5b: {  	_ =	shalt  }
0x5c: {  	_ =	shalt  }
0x5d: {  	_ =	shalt  }
0x5e: {  	_ =	shalt  }
0x5f: {  	_ =	shalt  }
0x60: {  	_ =	shalt  }
0x61: {  	_ =	shalt  }
0x62: {  	_ =	shalt  }
0x63: {  	_ =	shalt  }
0x64: {  	_ =	shalt  }
0x65: {  	_ =	shalt  }
0x66: {  	_ =	shalt  }
0x67: {  	_ =	shalt  }
0x68: {  	_ =	shalt  }
0x69: {  	_ =	shalt  }
0x6a: {  	_ =	shalt  }
0x6b: {  	_ =	shalt  }
0x6c: {  	_ =	shalt  }
0x6d: {  	_ =	shalt  }
0x6e: {  	_ =	shalt  }
0x6f: {  	_ =	shalt  }
0x70: {  	_ =	shalt  }
0x71: {  	_ =	shalt  }
0x72: {  	_ =	shalt  }
0x73: {  	_ =	shalt  }
0x74: {  	_ =	shalt  }
0x75: {  	_ =	shalt  }
0x76: {  	_ =	shalt  }
0x77: {  	_ =	shalt  }
0x78: {  	_ =	shalt  }
0x79: {  	_ =	shalt  }
0x7a: {  	_ =	shalt  }
0x7b: {  	_ =	shalt  }
0x7c: {  	_ =	shalt  }
0x7d: {  	_ =	shalt  }
0x7e: {  	_ =	shalt  }
0x7f: {  	_ =	shalt  }
0x80: {  	_ =	shalt  }
0x81: {  	_ =	shalt  }
0x82: {  	_ =	shalt  }
0x83: {  	_ =	shalt  }
0x84: {  	_ =	shalt  }
0x85: {  	_ =	shalt  }
0x86: {  	_ =	shalt  }
0x87: {  	_ =	shalt  }
.Lfunc_end0:
.L_simem_size_0:
called_computation_lowered:
.L_overlay_start_0:
0x88: {  	s2 =	sld [smem:$0x3FD9]  }
0x89: {  	s3 =	sld [smem:$0x3FFE];
	_ =	sdelay $0x1  }
0x8a: {  	s1 =	srdreg.scid  }
0x8b: {  	s0 =	sand.u32 $0x1, s1  }
0x8c: {  	s18 =	sshll.u32 s0, $0xA;
	s2 =	sadd.s32 s3, s2  }
0x8d: {  	s2 =	sadd.s32 s2, s18  }
0x8e: {  	[smem:$0x3FC6] =	sst s2  }
0x8f: {  	_ = 	snop  }
0x90: {  	s2 =	sld [smem:$0x3FC9]  }
0x91: {  	s19 =	sld [smem:$0x3FC8]  }
0x92: {  	s4 =	sld [smem:$0x3FD0];
	(tm) =	ssettm $0x1  }
0x93: {  	s5 =	sld [smem:$0x3FFB];
	_ =	sdelay $0x3  }
0x94: {  	_ =	strace s5  }
0x95: {  	s5 =	sld [smem:$0x3FFC];
	_ =	sdelay $0x3  }
0x96: {  	_ =	strace s5  }
0x97: {  	s5 =	sld [smem:$0x3FFD];
	_ =	sdelay $0x3  }
0x98: {  	_ =	strace s5  }
0x99: {  	_ =	strace $0x8FFFFFFF  }
0x9a: {  	s20 =	sld [smem:$0x3FDB];
	_ =	sdelay $0x1  }
0x9b: {  	s6 =	simm.s32 $_scs_section_size  }
0x9c: {  	s7 =	simm.s32 $_size__tile_overlayer_lowered;
	s8 =	simm.s32 $_tile_overlayer_lowered  }
0x9d: {  	s23 =	simm.s32 $0x1BFF;
	s22 =	sshll.u32 s8, $0x1;
	s5 =	sadd.s32 s6, s20  }
0x9e: {  	s9 =	simm.s32 $0x0;
	s21 =	sshll.u32 s7, $0x1;
	s7 =	sadd.s32 s22, s5  }
0x9f: {  	[timem:s9], [sflag:s23] =	dma.local [hbm:s7], s21  }
0xa0: {  	_ =	swait.ge [sflag:s23], s21  }
0xa1: {  	s6 =	ssub.s32 $0x0, s21;
	[sflag:s23] =	ssyncset.done $0x0  }
0xa2: {  	[sflag:s23] =	ssyncadd.s32 s6;
	_ =	sdelay $0x1  }
0xa3: {  	s24 =	simm.s32 $0x1B8B  }
0xa4: {  	_ =	swait.ge [sflag:s24], $0x1  }
0xa5: {  	[sflag:s24] =	ssyncset.done $0x0  }
0xa6: {  	s25 =	simm.s32 $0x1B8E;
	[sflag:s24] =	ssyncadd.s32 $0xFFFFFFFF  }
0xa7: {  	s26 =	simm.s32 $execute0_lowered;
	[smem:$0x3FD2] =	sst s25  }
0xa8: {  	s6 =	sshll.u32 s26, $0x1;
	_ =	strace $0x80000046;
	[dreg:$0x1] =	wrdreg $0xFFFFFFFF  }
0xa9: {  	s28 =	simm.s32 $_size_execute0_lowered;
	s5 =	sadd.s32 s5, s6;
	[dreg:$0x0] =	wrdreg $0x0  }
0xaa: {  	s6 =	sshll.u32 s28, $0x1;
	[dreg:$0x2] =	wrdreg s5  }
0xab: {  	[dreg:$0x3] =	wrdreg s6  }
0xac: {  	[dreg:$0x4] =	wrdreg $0xC0  }
0xad: {  	_ =	task [dreg:s9], $0x5FFFF  }
0xae: {  	[dreg:$0x1] =	wrdreg $0xFFFFFFFF  }
0xaf: {  	[dreg:$0x0] =	wrdreg $0x60  }
0xb0: {  	[dreg:$0x2] =	wrdreg s2  }
0xb1: {  	[dreg:$0x3] =	wrdreg s19  }
0xb2: {  	[dreg:$0x4] =	wrdreg s4  }
0xb3: {  	[dreg:$0x5] =	wrdreg $0x9  }
0xb4: {  	_ =	task.clear_ibuf [dreg:s9], $0x6FFFF;
	_ =	strace $0x90000046  }
0xb5: {  	s29 =	simm.s32 $0x9;
	_ =	strace $0x80000048  }
0xb6: {  	_ =	swait.ge [sflag:s29], $0x1  }
0xb7: {  	[sflag:s29] =	ssyncadd.s32 $0xFFFFFFFF  }
0xb8: {  	_ =	strace $0x90000048  }
0xb9: {  	_ =	sfence  }
0xba: {  	s30 =	sld [smem:$0x0];
	_ =	sdelay $0x2  }
0xbb: {  	s31 =	sshll.u32 s1, $0xD;
	s1 =	sshrl.u32 s1, $0x2  }
0xbc: {  	s3 =	sand.u32 $0x4000, s31;
	s1 =	sadd.s32 s1, s30  }
0xbd: {  	s0 =	sor.u32 s3, s0;
	s1 =	sshll.u32 s1, $0x11  }
0xbe: {  	s0 =	sor.u32 s1, s0  }
0xbf: {  	s0 =	sadd.s32 $0x8F2B, s0  }
0xc0: {  	[sflag:s0] =	ssyncadd.remote.s32 $0x1  }
0xc1: {  	_ =	sfence.sel $0xFFFF  }
0xc2: {  	[dreg:$0x0] =	wrdreg $0xFFFFFFFF;
	(pc) =	sbr.abs _section_cstart, $3  }
0xc3: {  	[dreg:$0x1] =	wrdreg $0xFFFFFFFF  }
0xc4: {  	_ =	task.clear_ibuf [dreg:s9], $0x2FFFF;
	_ =	strace $0x9FFFFFFF  }
0xc5: {  	(tm) =	ssettm $0x7FFFFFFF  }
tec
execute0_lowered:
.L_overlay_start_1:
0x0: {  	(tag) =	ssettag $0x1  }
0x1: {  	s1 =	rddreg [dreg:$0x0]  }
0x2: {  	s2 =	srdreg.scid;
	s3 =	rddreg [dreg:$0x1]  }
0x3: {  	s0 =	stileid.u32;
	s4 =	rddreg [dreg:$0x2];
	s10 =	simm.s32 $0x5  }
0x4: {  	s11 =	simm.s32 $0x6400;
	s12 =	simm.s32 $0xC800;
	s13 =	simm.s32 $0x1  }
0x5: {  	s14 =	simm.s32 $0x12C00;
	s15 =	simm.s32 $0x2;
	s7 =	sand.u32 $0x1, s2  }
0x6: {  	s16 =	simm.s32 $0x19000;
	s5 =	sshll.u32 s0, $0x8;
	s6 =	sshll.u32 s7, $0x7  }
0x7: {  	s17 =	simm.s32 $0x3;
	s18 =	simm.s32 $0x4;
	s5 =	sor.u32 s6, s5  }
0x8: {  	s19 =	simm.s32 $0x0;
	s7 =	ssub.s32 $0x2, s7;
	s8 =	smul.u32 $0xC80, s5  }
0x9: {  	s2 =	rddreg [dreg:$0x3];
	s6 =	simm.s32 $0x0;
	s9 =	sshrl.u32 s7, $0x1  }
0xa: {  	[smem:$0x7FF] =	sst s6;
	s9 =	ssub.s32 s7, s9;
	s7 =	sadd.s32 s1, s8  }
0xb: {  	_ =	strace $0x80000047;
	s9 =	smax.u32 s9, $0x1;
	s8 =	sadd.s32 $0xC80, s7  }
.LBB2_1:
0xc: {  	[tilespmem:s6], [sflag:$0x5] =	stream.linear.gather [hbm4b:s3+s6], $0x6400, $0x38;
	[tilespmem:$0x1F400] =	vst v63  }
0xd: {  	_ =	swait.ge [sflag:s10], $0x6400  }
0xe: {  	[sflag:s10] =	ssyncset.done $0x0  }
0xf: {  	[sflag:s10] =	ssyncadd.s32 $0xFFFF9C00  }
0x10: {  	[tilespmem:s11], [sflag:$0x1] =	stream.linear.gather [hbm4b:s7+s6], $0x6400, $0x38;
	[tilespmem:$0x1F400] =	vst v63  }
0x11: {  	s20 =	simm.s32 $0x0  }
0x12: {  	[tilespmem:s12], [sflag:$0x2] =	stream.linear.gather [hbm4b:s8+s6], $0x6400, $0x38;
	[tilespmem:$0x1F400] =	vst v63  }
.LBB2_2:
0x13: {  	_ =	swait.ge [sflag:s13], $0x6400  }
0x14: {  	p1 =	seq.s32 s20, $0x0;
	[sflag:s13] =	ssyncset.done $0x0  }
0x15: {  	s21 =	simm.s32 @!p1 $0x3;
	[sflag:s13] =	ssyncadd.s32 $0xFFFF9C00  }
0x16: {  	_ =	swait.ge @!p1 [sflag:s21], $0x6400  }
0x17: {  	[sflag:s21] =	ssyncset.done @!p1 $0x0  }
0x18: {  	s22 =	simm.s32 $0xF0;
	[sflag:s21] =	ssyncadd.s32 @!p1 $0xFFFF9C00  }
0x19: {  	v0 =	vld [tilespmem:s22+$0x6400]  }
0x1a: {  	v1 =	vld [tilespmem:s22+$0x0]  }
0x1b: {  	v2 =	vld [tilespmem:s22+$0x6310]  }
0x1c: {  	v3 =	vld [tilespmem:s22+$0xFFFFFF10]  }
0x1d: {  	v4 =	vld [tilespmem:s22+$0x6320]  }
0x1e: {  	v5 =	vld [tilespmem:s22+$0xFFFFFF20]  }
0x1f: {  	v6 =	vld [tilespmem:s22+$0x6330]  }
0x20: {  	v7 =	vld [tilespmem:s22+$0x6340];
	v0 =	vadd.f32 v1, v0  }
0x21: {  	v1 =	vld [tilespmem:s22+$0xFFFFFF30]  }
0x22: {  	v2 =	vadd.f32 v3, v2;
	[tilespmem:s22+$0x12C00] =	vst v0;
	v0 =	vld [tilespmem:s22+$0xFFFFFF40]  }
0x23: {  	v3 =	vld [tilespmem:s22+$0x6350]  }
0x24: {  	[tilespmem:s22+$0x12B10] =	vst v2;
	v2 =	vadd.f32 v5, v4;
	v4 =	vld [tilespmem:s22+$0xFFFFFF50]  }
0x25: {  	v5 =	vld [tilespmem:s22+$0xFFFFFF60]  }
0x26: {  	[tilespmem:s22+$0x12B20] =	vst v2;
	v2 =	vld [tilespmem:s22+$0x6360];
	v1 =	vadd.f32 v1, v6  }
0x27: {  	v6 =	vld [tilespmem:s22+$0xFFFFFF70];
	v0 =	vadd.f32 v0, v7  }
0x28: {  	[tilespmem:s22+$0x12B30] =	vst v1;
	v1 =	vld [tilespmem:s22+$0x6370]  }
0x29: {  	[tilespmem:s22+$0x12B40] =	vst v0;
	v0 =	vadd.f32 v4, v3;
	v3 =	vld [tilespmem:s22+$0x6380]  }
0x2a: {  	v4 =	vld [tilespmem:s22+$0xFFFFFF80]  }
0x2b: {  	[tilespmem:s22+$0x12B50] =	vst v0;
	v0 =	vadd.f32 v5, v2;
	v2 =	vld [tilespmem:s22+$0x6390]  }
0x2c: {  	v5 =	vld [tilespmem:s22+$0xFFFFFF90]  }
0x2d: {  	[tilespmem:s22+$0x12B60] =	vst v0;
	v0 =	vadd.f32 v6, v1;
	v1 =	vld [tilespmem:s22+$0x63A0]  }
0x2e: {  	v6 =	vld [tilespmem:s22+$0xFFFFFFA0]  }
0x2f: {  	[tilespmem:s22+$0x12B70] =	vst v0;
	v0 =	vadd.f32 v4, v3;
	v3 =	vld [tilespmem:s22+$0x63B0]  }
0x30: {  	v4 =	vld [tilespmem:s22+$0xFFFFFFB0]  }
0x31: {  	[tilespmem:s22+$0x12B80] =	vst v0;
	v0 =	vadd.f32 v5, v2;
	v2 =	vld [tilespmem:s22+$0x63C0]  }
0x32: {  	v5 =	vld [tilespmem:s22+$0xFFFFFFC0]  }
0x33: {  	v7 =	vld [tilespmem:s22+$0xFFFFFFD0]  }
0x34: {  	[tilespmem:s22+$0x12B90] =	vst v0;
	v0 =	vadd.f32 v6, v1;
	v6 =	vld [tilespmem:s22+$0x63D0]  }
0x35: {  	v1 =	vld [tilespmem:s22+$0x63E0]  }
0x36: {  	[tilespmem:s22+$0x12BA0] =	vst v0;
	v0 =	vadd.f32 v4, v3;
	v3 =	vld [tilespmem:s22+$0xFFFFFFE0]  }
0x37: {  	v4 =	vld [tilespmem:s22+$0xFFFFFFF0];
	v5 =	vadd.f32 v5, v2  }
0x38: {  	s23 =	simm.s32 $0x1F0;
	s31 =	sshll.u32 s20, $0x1;
	[tilespmem:s22+$0x12BB0] =	vst v0;
	v0 =	vld [tilespmem:s22+$0x63F0]  }
0x39: {  	s24 =	simm.s32 $0xBC0;
	s21 =	sadd.s32 s5, s31;
	v2 =	vld [tilespmem:s23+$0x6400];
	[tilespmem:s22+$0x12BC0] =	vst v5;
	v5 =	vadd.f32 v7, v6  }
.LBB2_3:
0x3a: {  	p0 =	sne.s32 s24, $0x18FC0;
	v6 =	vld [tilespmem:s23+$0x0]  }
0x3b: {  	v7 =	vld [tilespmem:s23+$0x6310];
	[tilespmem:s22+$0x12BD0] =	vst v5;
	v1 =	vadd.f32 v3, v1  }
0x3c: {  	v3 =	vld [tilespmem:s23+$0xFFFFFF10]  }
0x3d: {  	v5 =	vld [tilespmem:s23+$0x6320];
	[tilespmem:s22+$0x12BE0] =	vst v1;
	v0 =	vadd.f32 v4, v0  }
0x3e: {  	v1 =	vld [tilespmem:s23+$0xFFFFFF20]  }
0x3f: {  	v4 =	vld [tilespmem:s23+$0x6330];
	v2 =	vadd.f32 v6, v2;
	[tilespmem:s22+$0x12BF0] =	vst v0;
	s22 =	smov.u32 s23  }
0x40: {  	v0 =	vld [tilespmem:s22+$0xFFFFFF30]  }
0x41: {  	v3 =	vadd.f32 v3, v7;
	v6 =	vld [tilespmem:s22+$0x6340];
	[tilespmem:s22+$0x12C00] =	vst v2  }
0x42: {  	v2 =	vld [tilespmem:s22+$0xFFFFFF40]  }
0x43: {  	[tilespmem:s22+$0x12B10] =	vst v3;
	v1 =	vadd.f32 v1, v5;
	v3 =	vld [tilespmem:s22+$0x6350]  }
0x44: {  	v5 =	vld [tilespmem:s22+$0xFFFFFF50]  }
0x45: {  	[tilespmem:s22+$0x12B20] =	vst v1;
	v0 =	vadd.f32 v0, v4;
	v1 =	vld [tilespmem:s22+$0x6360]  }
0x46: {  	v4 =	vld [tilespmem:s22+$0xFFFFFF60]  }
0x47: {  	[tilespmem:s22+$0x12B30] =	vst v0;
	v0 =	vadd.f32 v2, v6;
	v2 =	vld [tilespmem:s22+$0x6370]  }
0x48: {  	v6 =	vld [tilespmem:s22+$0xFFFFFF70]  }
0x49: {  	[tilespmem:s22+$0x12B40] =	vst v0;
	v0 =	vadd.f32 v5, v3;
	v3 =	vld [tilespmem:s22+$0x6380]  }
0x4a: {  	v5 =	vld [tilespmem:s22+$0xFFFFFF80]  }
0x4b: {  	[tilespmem:s22+$0x12B50] =	vst v0;
	v0 =	vadd.f32 v4, v1;
	v1 =	vld [tilespmem:s22+$0x6390]  }
0x4c: {  	v4 =	vld [tilespmem:s22+$0xFFFFFF90]  }
0x4d: {  	[tilespmem:s22+$0x12B60] =	vst v0;
	v0 =	vadd.f32 v6, v2;
	v2 =	vld [tilespmem:s22+$0x63A0]  }
0x4e: {  	v6 =	vld [tilespmem:s22+$0xFFFFFFA0]  }
0x4f: {  	[tilespmem:s22+$0x12B70] =	vst v0;
	v0 =	vadd.f32 v5, v3;
	v3 =	vld [tilespmem:s22+$0x63B0]  }
0x50: {  	v5 =	vld [tilespmem:s22+$0xFFFFFFB0]  }
0x51: {  	[tilespmem:s22+$0x12B80] =	vst v0;
	v0 =	vadd.f32 v4, v1;
	v4 =	vld [tilespmem:s22+$0x63C0]  }
0x52: {  	v7 =	vld [tilespmem:s22+$0xFFFFFFC0]  }
0x53: {  	[tilespmem:s22+$0x12B90] =	vst v0;
	v0 =	vadd.f32 v6, v2;
	v6 =	vld [tilespmem:s22+$0x63D0]  }
0x54: {  	v8 =	vld [tilespmem:s22+$0xFFFFFFD0]  }
.Ltmp0:
0x55: {  	[tilespmem:s22+$0x12BA0] =	vst v0;
	v0 =	vadd.f32 v5, v3;
	v1 =	vld [tilespmem:s22+$0x63E0];
	(pc) =	sbr.rel @p0 .LBB2_3-.Ltmp0, $4  }
0x56: {  	v3 =	vld [tilespmem:s22+$0xFFFFFFE0]  }
0x57: {  	[tilespmem:s22+$0x12BB0] =	vst v0;
	v5 =	vadd.f32 v7, v4;
	v0 =	vld [tilespmem:s22+$0x63F0]  }
0x58: {  	s23 =	sshra.s32 s24, $0x2;
	v4 =	vld [tilespmem:s22+$0xFFFFFFF0]  }
0x59: {  	s24 =	sadd.s32 $0x400, s24;
	v2 =	vld [tilespmem:s23+$0x6400];
	[tilespmem:s22+$0x12BC0] =	vst v5;
	v5 =	vadd.f32 v8, v6  }
0x5a: {  	v6 =	vld [tilespmem:s23+$0x0]  }
0x5b: {  	v7 =	vld [tilespmem:s23+$0x6310];
	[tilespmem:s22+$0x12BD0] =	vst v5;
	v1 =	vadd.f32 v3, v1  }
0x5c: {  	v3 =	vld [tilespmem:s23+$0xFFFFFF10]  }
0x5d: {  	v5 =	vld [tilespmem:s23+$0x6320];
	[tilespmem:s22+$0x12BE0] =	vst v1;
	v0 =	vadd.f32 v4, v0  }
0x5e: {  	v1 =	vld [tilespmem:s23+$0xFFFFFF20]  }
0x5f: {  	v4 =	vld [tilespmem:s23+$0x6330];
	[tilespmem:s22+$0x12BF0] =	vst v0  }
0x60: {  	v0 =	vadd.f32 v6, v2;
	v2 =	vld [tilespmem:s23+$0xFFFFFF30]  }
0x61: {  	v6 =	vld [tilespmem:s23+$0x6340]  }
0x62: {  	v3 =	vadd.f32 v3, v7;
	[tilespmem:s23+$0x12C00] =	vst v0;
	v0 =	vld [tilespmem:s23+$0xFFFFFF40]  }
0x63: {  	v7 =	vld [tilespmem:s23+$0xFFFFFFF0]  }
0x64: {  	[tilespmem:s23+$0x12B10] =	vst v3;
	v1 =	vadd.f32 v1, v5;
	v3 =	vld [tilespmem:s23+$0x6350]  }
0x65: {  	v5 =	vld [tilespmem:s23+$0xFFFFFF50]  }
0x66: {  	[tilespmem:s23+$0x12B20] =	vst v1;
	v1 =	vadd.f32 v2, v4;
	v2 =	vld [tilespmem:s23+$0x6360]  }
0x67: {  	v4 =	vld [tilespmem:s23+$0xFFFFFF60]  }
0x68: {  	v0 =	vadd.f32 v0, v6;
	v6 =	vld [tilespmem:s23+$0xFFFFFF70]  }
0x69: {  	[tilespmem:s23+$0x12B30] =	vst v1;
	v1 =	vld [tilespmem:s23+$0x6370]  }
0x6a: {  	[tilespmem:s23+$0x12B40] =	vst v0;
	v0 =	vadd.f32 v5, v3;
	v3 =	vld [tilespmem:s23+$0x6380]  }
0x6b: {  	v5 =	vld [tilespmem:s23+$0xFFFFFF80]  }
0x6c: {  	[tilespmem:s23+$0x12B50] =	vst v0;
	v0 =	vadd.f32 v4, v2;
	v2 =	vld [tilespmem:s23+$0x6390]  }
0x6d: {  	v4 =	vld [tilespmem:s23+$0xFFFFFF90]  }
0x6e: {  	[tilespmem:s23+$0x12B60] =	vst v0;
	v0 =	vadd.f32 v6, v1;
	v1 =	vld [tilespmem:s23+$0x63A0]  }
0x6f: {  	v6 =	vld [tilespmem:s23+$0xFFFFFFA0]  }
0x70: {  	[tilespmem:s23+$0x12B70] =	vst v0;
	v0 =	vadd.f32 v5, v3;
	v3 =	vld [tilespmem:s23+$0x63B0]  }
0x71: {  	v5 =	vld [tilespmem:s23+$0xFFFFFFB0]  }
0x72: {  	[tilespmem:s23+$0x12B80] =	vst v0;
	v0 =	vadd.f32 v4, v2;
	v2 =	vld [tilespmem:s23+$0x63C0]  }
0x73: {  	v4 =	vld [tilespmem:s23+$0xFFFFFFC0]  }
0x74: {  	[tilespmem:s23+$0x12B90] =	vst v0;
	v0 =	vadd.f32 v6, v1;
	v1 =	vld [tilespmem:s23+$0x63D0]  }
0x75: {  	v6 =	vld [tilespmem:s23+$0xFFFFFFD0]  }
0x76: {  	[tilespmem:s23+$0x12BA0] =	vst v0;
	v0 =	vadd.f32 v5, v3;
	v3 =	vld [tilespmem:s23+$0x63E0]  }
0x77: {  	v5 =	vld [tilespmem:s23+$0xFFFFFFE0]  }
0x78: {  	[tilespmem:s23+$0x12BB0] =	vst v0;
	v0 =	vld [tilespmem:s23+$0x63F0];
	_ =	sdelay $0x1  }
0x79: {  	p0 =	seq.s32 s20, $0x3F;
	v2 =	vadd.f32 v4, v2  }
0x7a: {  	s22 =	smul.u32 @!p0 $0x6400, s21;
	v1 =	vadd.f32 v6, v1  }
0x7b: {  	[tilespmem:s23+$0x12BC0] =	vst v2;
	v2 =	vadd.f32 v5, v3  }
0x7c: {  	s22 =	sshrl.u32 @!p0 s22, $0x3;
	[tilespmem:s23+$0x12BD0] =	vst v1;
	v0 =	vadd.f32 v7, v0  }
0x7d: {  	s25 =	smul.u32 $0xC80, s21;
	s22 =	sadd.s32 @!p0 s1, s22;
	[tilespmem:s23+$0x12BE0] =	vst v2  }
0x7e: {  	s24 =	simm.s32 @!p0 $0x6400;
	s22 =	sadd.s32 @!p0 $0x1900, s22;
	[tilespmem:s23+$0x12BF0] =	vst v0;
	s23 =	simm.s32 @!p0 $0x0  }
0x7f: {  	[tilespmem:s24], [sflag:$0x1] =	stream.linear.gather @!p0 [hbm4b:s22+s23], $0x6400, $0x38;
	[tilespmem:$0x1F400] =	vst v63  }
0x80: {  	s31 =	sadd.s32 s4, s25  }
0x81: {  	[hbm4b:s31+s6] =	stream.linear.scatter [tilespmem:s14], [sflag:$0x3], $0x6400, $0x38;
	[tilespmem:$0x1F400] =	vst v63  }
0x82: {  	_ =	swait.ge [sflag:s15], $0x6400  }
0x83: {  	[sflag:s15] =	ssyncset.done $0x0  }
0x84: {  	s22 =	simm.s32 @!p1 $0x4;
	[sflag:s15] =	ssyncadd.s32 $0xFFFF9C00  }
0x85: {  	_ =	swait.ge @!p1 [sflag:s22], $0x6400  }
0x86: {  	[sflag:s22] =	ssyncset.done @!p1 $0x0  }
0x87: {  	[sflag:s22] =	ssyncadd.s32 @!p1 $0xFFFF9C00;
	s22 =	simm.s32 $0xF0  }
0x88: {  	v0 =	vld [tilespmem:s22+$0xC800]  }
0x89: {  	v1 =	vld [tilespmem:s22+$0x0]  }
0x8a: {  	v2 =	vld [tilespmem:s22+$0xC710]  }
0x8b: {  	v3 =	vld [tilespmem:s22+$0xFFFFFF10]  }
0x8c: {  	v4 =	vld [tilespmem:s22+$0xC720]  }
0x8d: {  	v5 =	vld [tilespmem:s22+$0xFFFFFF20]  }
0x8e: {  	v6 =	vld [tilespmem:s22+$0xC730]  }
0x8f: {  	v7 =	vld [tilespmem:s22+$0xC740]  }
0x90: {  	v0 =	vadd.f32 v1, v0;
	v1 =	vld [tilespmem:s22+$0xFFFFFF30]  }
0x91: {  	v2 =	vadd.f32 v3, v2;
	v3 =	vld [tilespmem:s22+$0xC750]  }
0x92: {  	[tilespmem:s22+$0x19000] =	vst v0;
	v0 =	vld [tilespmem:s22+$0xFFFFFF40]  }
0x93: {  	[tilespmem:s22+$0x18F10] =	vst v2;
	v2 =	vadd.f32 v5, v4;
	v4 =	vld [tilespmem:s22+$0xFFFFFF50]  }
0x94: {  	v5 =	vld [tilespmem:s22+$0xFFFFFF60]  }
0x95: {  	[tilespmem:s22+$0x18F20] =	vst v2;
	v2 =	vld [tilespmem:s22+$0xC760];
	v1 =	vadd.f32 v1, v6  }
0x96: {  	v6 =	vld [tilespmem:s22+$0xFFFFFF70]  }
0x97: {  	[tilespmem:s22+$0x18F30] =	vst v1;
	v0 =	vadd.f32 v0, v7;
	v1 =	vld [tilespmem:s22+$0xC770]  }
0x98: {  	v7 =	vld [tilespmem:s22+$0xFFFFFFC0]  }
0x99: {  	[tilespmem:s22+$0x18F40] =	vst v0;
	v0 =	vadd.f32 v4, v3;
	v3 =	vld [tilespmem:s22+$0xC780]  }
0x9a: {  	v4 =	vld [tilespmem:s22+$0xFFFFFF80]  }
0x9b: {  	[tilespmem:s22+$0x18F50] =	vst v0;
	v0 =	vadd.f32 v5, v2;
	v2 =	vld [tilespmem:s22+$0xC790]  }
0x9c: {  	v5 =	vld [tilespmem:s22+$0xFFFFFF90]  }
0x9d: {  	[tilespmem:s22+$0x18F60] =	vst v0;
	v0 =	vadd.f32 v6, v1;
	v1 =	vld [tilespmem:s22+$0xC7A0]  }
0x9e: {  	v6 =	vld [tilespmem:s22+$0xFFFFFFA0]  }
0x9f: {  	[tilespmem:s22+$0x18F70] =	vst v0;
	v0 =	vadd.f32 v4, v3;
	v3 =	vld [tilespmem:s22+$0xC7B0]  }
0xa0: {  	v4 =	vld [tilespmem:s22+$0xFFFFFFB0]  }
0xa1: {  	[tilespmem:s22+$0x18F80] =	vst v0;
	v0 =	vadd.f32 v5, v2;
	v5 =	vld [tilespmem:s22+$0xC7C0]  }
0xa2: {  	v8 =	vld [tilespmem:s22+$0xFFFFFFD0]  }
0xa3: {  	[tilespmem:s22+$0x18F90] =	vst v0;
	v0 =	vadd.f32 v6, v1;
	v6 =	vld [tilespmem:s22+$0xC7D0]  }
0xa4: {  	v2 =	vld [tilespmem:s22+$0xC7E0]  }
0xa5: {  	[tilespmem:s22+$0x18FA0] =	vst v0;
	v0 =	vadd.f32 v4, v3;
	v3 =	vld [tilespmem:s22+$0xFFFFFFE0]  }
0xa6: {  	v4 =	vld [tilespmem:s22+$0xFFFFFFF0];
	v5 =	vadd.f32 v7, v5  }
0xa7: {  	s23 =	simm.s32 $0x1F0;
	[tilespmem:s22+$0x18FB0] =	vst v0;
	v0 =	vld [tilespmem:s22+$0xC7F0]  }
0xa8: {  	s24 =	simm.s32 $0xBC0;
	v1 =	vld [tilespmem:s23+$0xC800];
	[tilespmem:s22+$0x18FC0] =	vst v5;
	v5 =	vadd.f32 v8, v6  }
.LBB2_5:
0xa9: {  	p1 =	sne.s32 s24, $0x18FC0;
	v6 =	vld [tilespmem:s23+$0x0]  }
0xaa: {  	v7 =	vld [tilespmem:s23+$0xC710];
	[tilespmem:s22+$0x18FD0] =	vst v5;
	v2 =	vadd.f32 v3, v2  }
0xab: {  	v3 =	vld [tilespmem:s23+$0xFFFFFF10]  }
0xac: {  	v5 =	vld [tilespmem:s23+$0xC720];
	[tilespmem:s22+$0x18FE0] =	vst v2;
	v0 =	vadd.f32 v4, v0  }
0xad: {  	v2 =	vld [tilespmem:s23+$0xFFFFFF20]  }
0xae: {  	v4 =	vld [tilespmem:s23+$0xC730];
	v1 =	vadd.f32 v6, v1;
	[tilespmem:s22+$0x18FF0] =	vst v0;
	s22 =	smov.u32 s23  }
0xaf: {  	v0 =	vld [tilespmem:s22+$0xFFFFFF30]  }
0xb0: {  	v3 =	vadd.f32 v3, v7;
	v6 =	vld [tilespmem:s22+$0xC740];
	[tilespmem:s22+$0x19000] =	vst v1  }
0xb1: {  	v1 =	vld [tilespmem:s22+$0xFFFFFF40]  }
0xb2: {  	[tilespmem:s22+$0x18F10] =	vst v3;
	v2 =	vadd.f32 v2, v5;
	v3 =	vld [tilespmem:s22+$0xC750]  }
0xb3: {  	v5 =	vld [tilespmem:s22+$0xFFFFFF50]  }
0xb4: {  	[tilespmem:s22+$0x18F20] =	vst v2;
	v0 =	vadd.f32 v0, v4;
	v2 =	vld [tilespmem:s22+$0xC760]  }
0xb5: {  	v4 =	vld [tilespmem:s22+$0xFFFFFF60]  }
0xb6: {  	[tilespmem:s22+$0x18F30] =	vst v0;
	v0 =	vadd.f32 v1, v6;
	v1 =	vld [tilespmem:s22+$0xC770]  }
0xb7: {  	v6 =	vld [tilespmem:s22+$0xFFFFFF70]  }
0xb8: {  	[tilespmem:s22+$0x18F40] =	vst v0;
	v0 =	vadd.f32 v5, v3;
	v3 =	vld [tilespmem:s22+$0xC780]  }
0xb9: {  	v5 =	vld [tilespmem:s22+$0xFFFFFF80]  }
0xba: {  	[tilespmem:s22+$0x18F50] =	vst v0;
	v0 =	vadd.f32 v4, v2;
	v2 =	vld [tilespmem:s22+$0xC790]  }
0xbb: {  	v4 =	vld [tilespmem:s22+$0xFFFFFF90]  }
0xbc: {  	[tilespmem:s22+$0x18F60] =	vst v0;
	v0 =	vadd.f32 v6, v1;
	v1 =	vld [tilespmem:s22+$0xC7A0]  }
0xbd: {  	v6 =	vld [tilespmem:s22+$0xFFFFFFA0]  }
0xbe: {  	[tilespmem:s22+$0x18F70] =	vst v0;
	v0 =	vadd.f32 v5, v3;
	v3 =	vld [tilespmem:s22+$0xC7B0]  }
0xbf: {  	v5 =	vld [tilespmem:s22+$0xFFFFFFB0]  }
0xc0: {  	[tilespmem:s22+$0x18F80] =	vst v0;
	v0 =	vadd.f32 v4, v2;
	v4 =	vld [tilespmem:s22+$0xC7C0]  }
0xc1: {  	v7 =	vld [tilespmem:s22+$0xFFFFFFC0]  }
0xc2: {  	[tilespmem:s22+$0x18F90] =	vst v0;
	v0 =	vadd.f32 v6, v1;
	v6 =	vld [tilespmem:s22+$0xC7D0]  }
0xc3: {  	v8 =	vld [tilespmem:s22+$0xFFFFFFD0]  }
.Ltmp1:
0xc4: {  	[tilespmem:s22+$0x18FA0] =	vst v0;
	v0 =	vadd.f32 v5, v3;
	v2 =	vld [tilespmem:s22+$0xC7E0];
	(pc) =	sbr.rel @p1 .LBB2_5-.Ltmp1, $4  }
0xc5: {  	v3 =	vld [tilespmem:s22+$0xFFFFFFE0]  }
0xc6: {  	[tilespmem:s22+$0x18FB0] =	vst v0;
	v5 =	vadd.f32 v7, v4;
	v0 =	vld [tilespmem:s22+$0xC7F0]  }
0xc7: {  	s23 =	sshra.s32 s24, $0x2;
	v4 =	vld [tilespmem:s22+$0xFFFFFFF0]  }
0xc8: {  	s24 =	sadd.s32 $0x400, s24;
	v1 =	vld [tilespmem:s23+$0xC800];
	[tilespmem:s22+$0x18FC0] =	vst v5;
	v5 =	vadd.f32 v8, v6  }
0xc9: {  	v6 =	vld [tilespmem:s23+$0x0]  }
0xca: {  	v7 =	vld [tilespmem:s23+$0xC710];
	[tilespmem:s22+$0x18FD0] =	vst v5;
	v2 =	vadd.f32 v3, v2  }
0xcb: {  	v28 =	vld [tilespmem:s23+$0xFFFFFF10]  }
0xcc: {  	v5 =	vld [tilespmem:s23+$0xC720];
	[tilespmem:s22+$0x18FE0] =	vst v2;
	v0 =	vadd.f32 v4, v0  }
0xcd: {  	v2 =	vld [tilespmem:s23+$0xFFFFFF20]  }
0xce: {  	v29 =	vld [tilespmem:s23+$0xC730];
	[tilespmem:s22+$0x18FF0] =	vst v0  }
0xcf: {  	v31 =	vld [tilespmem:s23+$0xFFFFFF30]  }
0xd0: {  	v32 =	vld [tilespmem:s23+$0xC740]  }
0xd1: {  	v33 =	vld [tilespmem:s23+$0xFFFFFF40]  }
0xd2: {  	v34 =	vld [tilespmem:s23+$0xC750]  }
0xd3: {  	v35 =	vld [tilespmem:s23+$0xFFFFFF50]  }
0xd4: {  	v36 =	vld [tilespmem:s23+$0xC760]  }
0xd5: {  	v37 =	vld [tilespmem:s23+$0xFFFFFF60]  }
0xd6: {  	v38 =	vld [tilespmem:s23+$0xC770]  }
0xd7: {  	v39 =	vld [tilespmem:s23+$0xFFFFFF70]  }
0xd8: {  	v41 =	vld [tilespmem:s23+$0xC780]  }
0xd9: {  	v42 =	vld [tilespmem:s23+$0xFFFFFF80]  }
0xda: {  	v44 =	vld [tilespmem:s23+$0xC790]  }
0xdb: {  	v45 =	vld [tilespmem:s23+$0xFFFFFF90]  }
0xdc: {  	v47 =	vld [tilespmem:s23+$0xC7A0]  }
0xdd: {  	v30 =	vadd.f32 v6, v1;
	v48 =	vld [tilespmem:s23+$0xFFFFFFA0]  }
0xde: {  	v50 =	vld [tilespmem:s23+$0xC7B0];
	v3 =	vadd.f32 v28, v7  }
0xdf: {  	v51 =	vld [tilespmem:s23+$0xFFFFFFB0];
	[tilespmem:s23+$0x19000] =	vst v30;
	v2 =	vadd.f32 v2, v5  }
0xe0: {  	v53 =	vld [tilespmem:s23+$0xC7C0];
	[tilespmem:s23+$0x18F10] =	vst v3;
	v1 =	vadd.f32 v31, v29  }
0xe1: {  	v54 =	vld [tilespmem:s23+$0xFFFFFFC0];
	[tilespmem:s23+$0x18F20] =	vst v2;
	v0 =	vadd.f32 v33, v32  }
0xe2: {  	v56 =	vld [tilespmem:s23+$0xC7D0];
	v40 =	vadd.f32 v35, v34;
	[tilespmem:s23+$0x18F30] =	vst v1  }
0xe3: {  	v57 =	vld [tilespmem:s23+$0xFFFFFFD0];
	v43 =	vadd.f32 v37, v36;
	[tilespmem:s23+$0x18F40] =	vst v0  }
0xe4: {  	v59 =	vld [tilespmem:s23+$0xC7E0];
	v46 =	vadd.f32 v39, v38;
	[tilespmem:s23+$0x18F50] =	vst v40  }
0xe5: {  	v60 =	vld [tilespmem:s23+$0xFFFFFFE0];
	v49 =	vadd.f32 v42, v41;
	[tilespmem:s23+$0x18F60] =	vst v43  }
0xe6: {  	v61 =	vld [tilespmem:s23+$0xC7F0];
	v52 =	vadd.f32 v45, v44;
	[tilespmem:s23+$0x18F70] =	vst v46  }
0xe7: {  	v62 =	vld [tilespmem:s23+$0xFFFFFFF0];
	v55 =	vadd.f32 v48, v47;
	[tilespmem:s23+$0x18F80] =	vst v49  }
0xe8: {  	v58 =	vadd.f32 v51, v50;
	[tilespmem:s23+$0x18F90] =	vst v52  }
0xe9: {  	v2 =	vadd.f32 v54, v53;
	[tilespmem:s23+$0x18FA0] =	vst v55  }
0xea: {  	s21 =	smul.u32 $0x6400, s21;
	v63 =	vadd.f32 v60, v59;
	[tilespmem:s23+$0x18FB0] =	vst v58  }
0xeb: {  	v1 =	vadd.f32 v57, v56;
	[tilespmem:s23+$0x18FC0] =	vst v2  }
0xec: {  	s22 =	sshrl.u32 @!p0 s21, $0x3;
	v0 =	vadd.f32 v62, v61;
	[tilespmem:s23+$0x18FE0] =	vst v63  }
0xed: {  	s24 =	simm.s32 @!p0 $0xC800;
	s22 =	sadd.s32 @!p0 s1, s22;
	[tilespmem:s23+$0x18FD0] =	vst v1  }
0xee: {  	s20 =	sadd.s32 $0x1, s20;
	s22 =	sadd.s32 @!p0 $0x2580, s22;
	[tilespmem:s23+$0x18FF0] =	vst v0;
	s23 =	simm.s32 @!p0 $0x0  }
0xef: {  	[tilespmem:s24], [sflag:$0x2] =	stream.linear.gather @!p0 [hbm4b:s22+s23], $0x6400, $0x38;
	[tilespmem:$0x1F400] =	vst v63  }
0xf0: {  	p0 =	sne.s32 s20, $0x40  }
.Ltmp2:
0xf1: {  	_ = 	snop;
	(pc) =	sbr.rel @p0 .LBB2_2-.Ltmp2, $4  }
0xf2: {  	s21 =	sshrl.u32 s21, $0x3  }
0xf3: {  	s21 =	sadd.s32 s4, s21  }
0xf4: {  	s21 =	sadd.s32 $0xC80, s21  }
0xf5: {  	[hbm4b:s21+s6] =	stream.linear.scatter [tilespmem:s16], [sflag:$0x4], $0x6400, $0x38;
	[tilespmem:$0x1F400] =	vst v63  }
0xf6: {  	s19 =	sadd.s32 $0x1, s19  }
0xf7: {  	_ =	swait.ge [sflag:s17], $0x6400;
	p0 =	sne.s32 s19, s9  }
.Ltmp3:
0xf8: {  	[sflag:s17] =	ssyncset.done $0x0;
	(pc) =	sbr.rel @p0 .LBB2_1-.Ltmp3, $4  }
0xf9: {  	[sflag:s17] =	ssyncadd.s32 $0xFFFF9C00  }
0xfa: {  	_ =	swait.ge [sflag:s18], $0x6400  }
0xfb: {  	[sflag:s18] =	ssyncset.done $0x0  }
0xfc: {  	[sflag:s18] =	ssyncadd.s32 $0xFFFF9C00  }
0xfd: {  	_ =	sfence.sel $0x180000  }
0xfe: {  	[bflag:$0x0] =	sbarrier.arrive $0xFFFF  }
0xff: {  	p0 =	sne.s32 s0, $0x0;
	_ =	strace $0x90000047  }
0x100: {  	s0 =	sadd.s32 @!p0 $0x100000, s2;
	[bflag:$0x2] =	sbarrier.arrive $0xFFFF  }
0x101: {  	[sflag:s0] =	ssyncadd.tile.s32 @!p0 $0x1;
	_ =	shalt  }
.Lfunc_end2:
_tile_overlayer_lowered:
.L_overlay_start_2:
0x102: {  	(tag) =	ssettag $0x2  }
0x103: {  	s0 =	rddreg [dreg:$0x0];
	s2 =	stileid.u32  }
0x104: {  	s1 =	rddreg [dreg:$0x1];
	p0 =	sne.s32 s2, $0x0  }
0x105: {  	s3 =	rddreg [dreg:$0x2];
	[bflag:$0x3] =	sbarrier.arrive $0xFFFF;
	s2 =	simm.s32 @!p0 $0x1C05  }
0x106: {  	[timem:s3], [sflag:s2] =	dma.local @!p0 [hbm:s0], s1  }
0x107: {  	s0 =	simm.s32 @!p0 $0x5  }
0x108: {  	_ =	swait.ge @!p0 [sflag:s0], s1  }
0x109: {  	s1 =	ssub.s32 @!p0 $0x0, s1;
	[sflag:s0] =	ssyncset.done @!p0 $0x0  }
0x10a: {  	[sflag:s0] =	ssyncadd.s32 @!p0 s1  }
0x10b: {  	[bflag:$0x3] =	sbarrier.arrive $0xFFFF  }
0x10c: {  	_ =	shalt  }

</sc_bundles>
